<compile_context>
chip_gen: v7x
topology: tpu7x:2x2x1
jax: 0.10.2.dev20260603
libtpu: 0.0.44.dev20260713+nightly
codegen_flags: <defaults>
</compile_context>

<pallas_src>
import functools

import jax
import jax.numpy as jnp
from jax import lax
from jax.experimental import pallas as pl
from jax.experimental.pallas import tpu as pltpu
from jax.experimental.pallas import tpu_sc as plsc

_R = 1024


def _rsqrt(x):
    i = lax.bitcast_convert_type(x, jnp.int32)
    i = jnp.int32(0x5F3759DF) - lax.shift_right_arithmetic(i, 1)
    y = lax.bitcast_convert_type(i, jnp.float32)
    for _ in range(3):
        y = y * (1.5 - 0.5 * x * y * y)
    return y


def _sc_body(n, xyz, scal, rot, op, dc, rest, out,
             out_v, xyz_v, scal_v, rot_v, op_v, rest_v, dc0_v, dc1_v, dc2_v, sem):
    nfull = n // _R
    nw = 32
    iters = (nfull + nw - 1) // nw
    wid = lax.axis_index("s") * 2 + lax.axis_index("c")

    def process(base, size):
        cols = pl.ds(base, size)
        vcols = pl.ds(0, size)
        copies = [
            pltpu.async_copy(xyz.at[:, cols], xyz_v.at[:, vcols], sem),
            pltpu.async_copy(scal.at[:, cols], scal_v.at[:, vcols], sem),
            pltpu.async_copy(rot.at[:, cols], rot_v.at[:, vcols], sem),
            pltpu.async_copy(op.at[:, cols], op_v.at[:, vcols], sem),
            pltpu.async_copy(dc.at[0, 0, cols], dc0_v.at[vcols], sem),
            pltpu.async_copy(dc.at[1, 0, cols], dc1_v.at[vcols], sem),
            pltpu.async_copy(dc.at[2, 0, cols], dc2_v.at[vcols], sem),
        ]
        for c in copies:
            c.wait()

        def act_body(j, carry2):
            sl = pl.ds(j * 16, 16)
            for r in range(3):
                out_v[r, sl] = xyz_v[r, sl]
            for r in range(3):
                out_v[3 + r, sl] = jnp.exp(scal_v[r, sl])
            q = [rot_v[r, sl] for r in range(4)]
            n2 = q[0] * q[0] + q[1] * q[1] + q[2] * q[2] + q[3] * q[3]
            inv = jnp.where(n2 >= 1e-24, _rsqrt(n2), 1e12)
            for r in range(4):
                out_v[6 + r, sl] = q[r] * inv
            out_v[10, sl] = 1.0 / (1.0 + jnp.exp(-op_v[0, sl]))
            out_v[11, sl] = dc0_v[sl]
            out_v[12, sl] = dc1_v[sl]
            out_v[13, sl] = dc2_v[sl]
            return carry2

        lax.fori_loop(0, size // 16, act_body, 0)

        for k in range(3):
            pltpu.async_copy(rest.at[k, :, cols], rest_v.at[:, vcols], sem).wait()

            def rest_copy(j, carry2, _k=k):
                sl = pl.ds(j * 16, 16)
                for i in range(15):
                    out_v[14 + 3 * i + _k, sl] = rest_v[i, sl]
                return carry2

            lax.fori_loop(0, size // 16, rest_copy, 0)

        pltpu.async_copy(out_v.at[:, vcols], out.at[:, cols], sem).wait()

    def chunk_body(it, carry):
        ck = wid + it * nw

        @pl.when(ck < nfull)
        def _():
            process(ck * _R, _R)

        return carry

    lax.fori_loop(0, iters, chunk_body, 0)


def _tc_tail_body(xyz_ref, scal_ref, rot_ref, op_ref, dc_ref, rest_ref, _, out_ref):
    out_ref[0:3, :] = xyz_ref[...]
    out_ref[3:6, :] = jnp.exp(scal_ref[...])
    q = rot_ref[...]
    norm = jnp.sqrt(jnp.sum(q * q, axis=0, keepdims=True))
    out_ref[6:10, :] = q / jnp.maximum(norm, 1e-12)
    out_ref[10:11, :] = 1.0 / (1.0 + jnp.exp(-op_ref[...]))
    out_ref[11:14, :] = dc_ref[:, 0, :]
    for i in range(15):
        out_ref[14 + 3 * i : 17 + 3 * i, :] = rest_ref[:, i, :]


def kernel(xyz, features_dc, features_rest, scaling, rotation, opacity):
    n = xyz.shape[0]
    xyz_t = xyz.T
    scal_t = scaling.T
    rot_t = rotation.T
    op_t = opacity.T
    dc_t = features_dc.transpose(2, 1, 0)
    rest_t = features_rest.transpose(2, 1, 0)

    mesh = plsc.VectorSubcoreMesh(core_axis_name="c", subcore_axis_name="s")
    sc_out = pl.kernel(
        functools.partial(_sc_body, n),
        out_type=jax.ShapeDtypeStruct((59, n), jnp.float32),
        mesh=mesh,
        scratch_types=[
            pltpu.VMEM((59, _R), jnp.float32),
            pltpu.VMEM((3, _R), jnp.float32),
            pltpu.VMEM((3, _R), jnp.float32),
            pltpu.VMEM((4, _R), jnp.float32),
            pltpu.VMEM((1, _R), jnp.float32),
            pltpu.VMEM((15, _R), jnp.float32),
            pltpu.VMEM((_R,), jnp.float32),
            pltpu.VMEM((_R,), jnp.float32),
            pltpu.VMEM((_R,), jnp.float32),
            pltpu.SemaphoreType.DMA,
        ],
    )(xyz_t, scal_t, rot_t, op_t, dc_t, rest_t)

    tb = (n // _R) * _R // _R

    def rows2(c):
        return pl.BlockSpec((c, _R), lambda i: (0, tb))

    def rows3(c, m):
        return pl.BlockSpec((c, m, _R), lambda i: (0, 0, tb))

    out = pl.pallas_call(
        _tc_tail_body,
        grid=(1,),
        in_specs=[
            rows2(3), rows2(3), rows2(4), rows2(1), rows3(3, 1), rows3(3, 15),
            pl.BlockSpec(memory_space=pl.ANY),
        ],
        out_specs=rows2(59),
        out_shape=jax.ShapeDtypeStruct((59, n), jnp.float32),
        input_output_aliases={6: 0},
    )(xyz_t, scal_t, rot_t, op_t, dc_t, rest_t, sc_out)
    return out.T

# --- scband reference (transcript-rebuilt; emitter-appended) ---
"""Pipeline reference for scband-gaussian-model-44040594653250 (READ-ONLY COPY).

The authoritative reference and input builder live on the scoring server;
editing this copy changes nothing except your own understanding.
"""

import jax, jax.numpy as jnp
import numpy as np

N_GAUSSIANS = 1000000


def setup_inputs(seed: int = 0) -> dict:
    key = jax.random.key(seed)
    k_xyz, k_rot = jax.random.split(key, 2)
    xyz = jax.random.normal(k_xyz, (N_GAUSSIANS, 3), dtype=jnp.float32) * 10.0
    features_dc = jnp.zeros((N_GAUSSIANS, 1, 3), dtype=jnp.float32)
    features_rest = jnp.zeros((N_GAUSSIANS, 15, 3), dtype=jnp.float32)
    scaling = jnp.ones((N_GAUSSIANS, 3), dtype=jnp.float32) * -3.0
    rotation = jnp.zeros((N_GAUSSIANS, 4), dtype=jnp.float32)
    rotation = rotation.at[:, 0].set(1.0)
    rotation = rotation + 0.01 * jax.random.normal(k_rot, (N_GAUSSIANS, 4), dtype=jnp.float32)
    opacity = jnp.zeros((N_GAUSSIANS, 1), dtype=jnp.float32)
    return {
        'xyz': xyz,
        'features_dc': features_dc,
        'features_rest': features_rest,
        'scaling': scaling,
        'rotation': rotation,
        'opacity': opacity,
    }


def reference(xyz, features_dc, features_rest, scaling, rotation, opacity):
    # GaussianModel activated property getters (get_scaling / get_rotation /
    # get_opacity / get_features), fused into one output table [N, 59].
    n = xyz.shape[0]
    get_scaling = jnp.exp(scaling)  # scaling_activation = exp
    # F.normalize(rotation, dim=-1) with default eps=1e-12
    norm = jnp.linalg.norm(rotation, axis=-1, keepdims=True)
    get_rotation = rotation / jnp.maximum(norm, 1e-12)
    get_opacity = jax.nn.sigmoid(opacity)  # opacity_activation = sigmoid
    get_features = jnp.concatenate([features_dc, features_rest], axis=1)  # [N,16,3]
    out = jnp.concatenate(
        [
            xyz,                                  # [N,3]
            get_scaling,                          # [N,3]
            get_rotation,                         # [N,4]
            get_opacity,                          # [N,1]
            get_features.reshape(n, 48),          # [N,48]
        ],
        axis=-1,
    )  # [N,59]
    return out

if __name__ == "__main__":
    import jax
    _d = setup_inputs()
    print(jax.jit(kernel)(*tuple(_d.values())))

</pallas_src>

<mosaic_0001>
#map = affine_map<(d0, d1) -> (0, 0)>
#map1 = affine_map<(d0, d1) -> (0, 0, 0)>
module attributes {stable_mosaic.version = 14 : i64} {
  func.func @_sc_body(%arg0: i32, %arg1: i32, %arg2: memref<3x1000000xf32, #tpu.memory_space<hbm>>, %arg3: memref<3x1000000xf32, #tpu.memory_space<hbm>>, %arg4: memref<4x1000000xf32, #tpu.memory_space<hbm>>, %arg5: memref<1x1000000xf32, #tpu.memory_space<hbm>>, %arg6: memref<3x1x1000000xf32, #tpu.memory_space<hbm>>, %arg7: memref<3x15x1000000xf32, #tpu.memory_space<hbm>>, %arg8: memref<59x1000000xf32, #tpu.memory_space<hbm>>, %arg9: memref<59x1024xf32, #tpu.memory_space<vmem>>, %arg10: memref<3x1024xf32, #tpu.memory_space<vmem>>, %arg11: memref<3x1024xf32, #tpu.memory_space<vmem>>, %arg12: memref<4x1024xf32, #tpu.memory_space<vmem>>, %arg13: memref<1x1024xf32, #tpu.memory_space<vmem>>, %arg14: memref<15x1024xf32, #tpu.memory_space<vmem>>, %arg15: memref<1024xf32, #tpu.memory_space<vmem>>, %arg16: memref<1024xf32, #tpu.memory_space<vmem>>, %arg17: memref<1024xf32, #tpu.memory_space<vmem>>, %arg18: memref<!tpu.dma_semaphore, #tpu.memory_space<semaphore_mem>>) attributes {dimension_semantics = [#tpu.dimension_semantics<core_parallel>, #tpu.dimension_semantics<subcore_parallel>], iteration_bounds = array<i64: 2, 16>, scalar_prefetch = 0 : i64, scratch_operands = 10 : i64, tpu.core_type = #tpu.core_type<sc_vector_subcore>, window_params = [{transform_indices = #map}, {transform_indices = #map}, {transform_indices = #map}, {transform_indices = #map}, {transform_indices = #map1}, {transform_indices = #map1}, {transform_indices = #map}]} {
    %mul3A = arith.constant 2 : i32
    %mul3A_0 = arith.muli %arg1, %mul3A : i32
    %add3A = arith.addi %mul3A_0, %arg0 : i32
    %scan3A = arith.constant 0 : i32
    %scan3A_1 = arith.constant 0 : i32
    %scan3A_2 = arith.constant 31 : i32
    %scan3A_3 = arith.addi %scan3A_1, %scan3A_2 : i32
    %scan3A_4 = arith.constant 1 : i32
    scf.for %scan3A_6 = %scan3A_1 to %scan3A_3 step %scan3A_4  : i32 {
      %mul3A_7 = arith.constant 32 : i32
      %mul3A_8 = arith.muli %scan3A_6, %mul3A_7 : i32
      %add3A_9 = arith.addi %add3A, %mul3A_8 : i32
      %lt3A = arith.constant 976 : i32
      %lt3A_10 = arith.cmpi slt, %add3A_9, %lt3A : i32
      %convert_element_type3A = arith.extui %lt3A_10 : i1 to i32
      %cond3A = arith.constant 0 : i32
      %cond3A_11 = arith.cmpi ne, %convert_element_type3A, %cond3A : i32
      scf.if %cond3A_11 {
        %mul3A_12 = arith.constant 1024 : i32
        %mul3A_13 = arith.muli %add3A_9, %mul3A_12 : i32
        %dma_start3A = arith.constant 0 : i32
        %dma_start3A_14 = arith.constant 0 : i32
        %dma_start3A_15 = tpu.memref_slice %arg10[%dma_start3A, %dma_start3A_14] : memref<3x1024xf32, #tpu.memory_space<vmem>> -> memref<3x1024xf32, #tpu.memory_space<vmem>>
        %dma_start3A_16 = arith.constant 0 : i32
        %dma_start3A_17 = tpu.memref_slice %arg2[%dma_start3A_16, %mul3A_13] : memref<3x1000000xf32, #tpu.memory_space<hbm>> -> memref<3x1024xf32, #tpu.memory_space<hbm>>
        %dma_start3A_18 = arith.constant 0 : i32
        %dma_start3A_19 = arith.constant 0 : i32
        %dma_start3A_20 = tpu.memref_slice %arg10[%dma_start3A_18, %dma_start3A_19] : memref<3x1024xf32, #tpu.memory_space<vmem>> -> memref<3x1024xf32, #tpu.memory_space<vmem>>
        %dma_start3A_21 = arith.constant 0 : i32
        %dma_start3A_22 = tpu.memref_slice %arg2[%dma_start3A_21, %mul3A_13] : memref<3x1000000xf32, #tpu.memory_space<hbm>> -> memref<3x1024xf32, #tpu.memory_space<hbm>>
        tpu.enqueue_dma source(%dma_start3A_22 : memref<3x1024xf32, #tpu.memory_space<hbm>>) target(%dma_start3A_20 : memref<3x1024xf32, #tpu.memory_space<vmem>>) target_semaphore(%arg18 : memref<!tpu.dma_semaphore, #tpu.memory_space<semaphore_mem>>)
        %dma_start3A_23 = arith.constant 0 : i32
        %dma_start3A_24 = arith.constant 0 : i32
        %dma_start3A_25 = tpu.memref_slice %arg11[%dma_start3A_23, %dma_start3A_24] : memref<3x1024xf32, #tpu.memory_space<vmem>> -> memref<3x1024xf32, #tpu.memory_space<vmem>>
        %dma_start3A_26 = arith.constant 0 : i32
        %dma_start3A_27 = tpu.memref_slice %arg3[%dma_start3A_26, %mul3A_13] : memref<3x1000000xf32, #tpu.memory_space<hbm>> -> memref<3x1024xf32, #tpu.memory_space<hbm>>
        %dma_start3A_28 = arith.constant 0 : i32
        %dma_start3A_29 = arith.constant 0 : i32
        %dma_start3A_30 = tpu.memref_slice %arg11[%dma_start3A_28, %dma_start3A_29] : memref<3x1024xf32, #tpu.memory_space<vmem>> -> memref<3x1024xf32, #tpu.memory_space<vmem>>
        %dma_start3A_31 = arith.constant 0 : i32
        %dma_start3A_32 = tpu.memref_slice %arg3[%dma_start3A_31, %mul3A_13] : memref<3x1000000xf32, #tpu.memory_space<hbm>> -> memref<3x1024xf32, #tpu.memory_space<hbm>>
        tpu.enqueue_dma source(%dma_start3A_32 : memref<3x1024xf32, #tpu.memory_space<hbm>>) target(%dma_start3A_30 : memref<3x1024xf32, #tpu.memory_space<vmem>>) target_semaphore(%arg18 : memref<!tpu.dma_semaphore, #tpu.memory_space<semaphore_mem>>)
        %dma_start3A_33 = arith.constant 0 : i32
        %dma_start3A_34 = arith.constant 0 : i32
        %dma_start3A_35 = tpu.memref_slice %arg12[%dma_start3A_33, %dma_start3A_34] : memref<4x1024xf32, #tpu.memory_space<vmem>> -> memref<4x1024xf32, #tpu.memory_space<vmem>>
        %dma_start3A_36 = arith.constant 0 : i32
        %dma_start3A_37 = tpu.memref_slice %arg4[%dma_start3A_36, %mul3A_13] : memref<4x1000000xf32, #tpu.memory_space<hbm>> -> memref<4x1024xf32, #tpu.memory_space<hbm>>
        %dma_start3A_38 = arith.constant 0 : i32
        %dma_start3A_39 = arith.constant 0 : i32
        %dma_start3A_40 = tpu.memref_slice %arg12[%dma_start3A_38, %dma_start3A_39] : memref<4x1024xf32, #tpu.memory_space<vmem>> -> memref<4x1024xf32, #tpu.memory_space<vmem>>
        %dma_start3A_41 = arith.constant 0 : i32
        %dma_start3A_42 = tpu.memref_slice %arg4[%dma_start3A_41, %mul3A_13] : memref<4x1000000xf32, #tpu.memory_space<hbm>> -> memref<4x1024xf32, #tpu.memory_space<hbm>>
        tpu.enqueue_dma source(%dma_start3A_42 : memref<4x1024xf32, #tpu.memory_space<hbm>>) target(%dma_start3A_40 : memref<4x1024xf32, #tpu.memory_space<vmem>>) target_semaphore(%arg18 : memref<!tpu.dma_semaphore, #tpu.memory_space<semaphore_mem>>)
        %dma_start3A_43 = arith.constant 0 : i32
        %dma_start3A_44 = arith.constant 0 : i32
        %dma_start3A_45 = tpu.memref_slice %arg13[%dma_start3A_43, %dma_start3A_44] : memref<1x1024xf32, #tpu.memory_space<vmem>> -> memref<1x1024xf32, #tpu.memory_space<vmem>>
        %dma_start3A_46 = arith.constant 0 : i32
        %dma_start3A_47 = tpu.memref_slice %arg5[%dma_start3A_46, %mul3A_13] : memref<1x1000000xf32, #tpu.memory_space<hbm>> -> memref<1x1024xf32, #tpu.memory_space<hbm>>
        %dma_start3A_48 = arith.constant 0 : i32
        %dma_start3A_49 = arith.constant 0 : i32
        %dma_start3A_50 = tpu.memref_slice %arg13[%dma_start3A_48, %dma_start3A_49] : memref<1x1024xf32, #tpu.memory_space<vmem>> -> memref<1x1024xf32, #tpu.memory_space<vmem>>
        %dma_start3A_51 = arith.constant 0 : i32
        %dma_start3A_52 = tpu.memref_slice %arg5[%dma_start3A_51, %mul3A_13] : memref<1x1000000xf32, #tpu.memory_space<hbm>> -> memref<1x1024xf32, #tpu.memory_space<hbm>>
        tpu.enqueue_dma source(%dma_start3A_52 : memref<1x1024xf32, #tpu.memory_space<hbm>>) target(%dma_start3A_50 : memref<1x1024xf32, #tpu.memory_space<vmem>>) target_semaphore(%arg18 : memref<!tpu.dma_semaphore, #tpu.memory_space<semaphore_mem>>)
        %dma_start3A_53 = arith.constant 0 : i32
        %dma_start3A_54 = arith.constant 0 : i32
        %dma_start3A_55 = arith.constant 0 : i32
        %dma_start3A_56 = tpu.memref_slice %arg15[%dma_start3A_55] : memref<1024xf32, #tpu.memory_space<vmem>> -> memref<1024xf32, #tpu.memory_space<vmem>>
        %dma_start3A_57 = tpu.memref_slice %arg6[%dma_start3A_53, %dma_start3A_54, %mul3A_13] : memref<3x1x1000000xf32, #tpu.memory_space<hbm>> -> memref<1x1x1024xf32, #tpu.memory_space<hbm>>
        %dma_start3A_58 = tpu.memref_squeeze %dma_start3A_57 : memref<1x1x1024xf32, #tpu.memory_space<hbm>> -> memref<1024xf32, #tpu.memory_space<hbm>>
        %dma_start3A_59 = arith.constant 0 : i32
        %dma_start3A_60 = tpu.memref_slice %arg15[%dma_start3A_59] : memref<1024xf32, #tpu.memory_space<vmem>> -> memref<1024xf32, #tpu.memory_space<vmem>>
        %dma_start3A_61 = tpu.memref_slice %arg6[%dma_start3A_53, %dma_start3A_54, %mul3A_13] : memref<3x1x1000000xf32, #tpu.memory_space<hbm>> -> memref<1x1x1024xf32, #tpu.memory_space<hbm>>
        %dma_start3A_62 = tpu.memref_squeeze %dma_start3A_61 : memref<1x1x1024xf32, #tpu.memory_space<hbm>> -> memref<1024xf32, #tpu.memory_space<hbm>>
        tpu.enqueue_dma source(%dma_start3A_62 : memref<1024xf32, #tpu.memory_space<hbm>>) target(%dma_start3A_60 : memref<1024xf32, #tpu.memory_space<vmem>>) target_semaphore(%arg18 : memref<!tpu.dma_semaphore, #tpu.memory_space<semaphore_mem>>)
        %dma_start3A_63 = arith.constant 1 : i32
        %dma_start3A_64 = arith.constant 0 : i32
        %dma_start3A_65 = arith.constant 0 : i32
        %dma_start3A_66 = tpu.memref_slice %arg16[%dma_start3A_65] : memref<1024xf32, #tpu.memory_space<vmem>> -> memref<1024xf32, #tpu.memory_space<vmem>>
        %dma_start3A_67 = tpu.memref_slice %arg6[%dma_start3A_63, %dma_start3A_64, %mul3A_13] : memref<3x1x1000000xf32, #tpu.memory_space<hbm>> -> memref<1x1x1024xf32, #tpu.memory_space<hbm>>
        %dma_start3A_68 = tpu.memref_squeeze %dma_start3A_67 : memref<1x1x1024xf32, #tpu.memory_space<hbm>> -> memref<1024xf32, #tpu.memory_space<hbm>>
        %dma_start3A_69 = arith.constant 0 : i32
        %dma_start3A_70 = tpu.memref_slice %arg16[%dma_start3A_69] : memref<1024xf32, #tpu.memory_space<vmem>> -> memref<1024xf32, #tpu.memory_space<vmem>>
        %dma_start3A_71 = tpu.memref_slice %arg6[%dma_start3A_63, %dma_start3A_64, %mul3A_13] : memref<3x1x1000000xf32, #tpu.memory_space<hbm>> -> memref<1x1x1024xf32, #tpu.memory_space<hbm>>
        %dma_start3A_72 = tpu.memref_squeeze %dma_start3A_71 : memref<1x1x1024xf32, #tpu.memory_space<hbm>> -> memref<1024xf32, #tpu.memory_space<hbm>>
        tpu.enqueue_dma source(%dma_start3A_72 : memref<1024xf32, #tpu.memory_space<hbm>>) target(%dma_start3A_70 : memref<1024xf32, #tpu.memory_space<vmem>>) target_semaphore(%arg18 : memref<!tpu.dma_semaphore, #tpu.memory_space<semaphore_mem>>)
        %dma_start3A_73 = arith.constant 2 : i32
        %dma_start3A_74 = arith.constant 0 : i32
        %dma_start3A_75 = arith.constant 0 : i32
        %dma_start3A_76 = tpu.memref_slice %arg17[%dma_start3A_75] : memref<1024xf32, #tpu.memory_space<vmem>> -> memref<1024xf32, #tpu.memory_space<vmem>>
        %dma_start3A_77 = tpu.memref_slice %arg6[%dma_start3A_73, %dma_start3A_74, %mul3A_13] : memref<3x1x1000000xf32, #tpu.memory_space<hbm>> -> memref<1x1x1024xf32, #tpu.memory_space<hbm>>
        %dma_start3A_78 = tpu.memref_squeeze %dma_start3A_77 : memref<1x1x1024xf32, #tpu.memory_space<hbm>> -> memref<1024xf32, #tpu.memory_space<hbm>>
        %dma_start3A_79 = arith.constant 0 : i32
        %dma_start3A_80 = tpu.memref_slice %arg17[%dma_start3A_79] : memref<1024xf32, #tpu.memory_space<vmem>> -> memref<1024xf32, #tpu.memory_space<vmem>>
        %dma_start3A_81 = tpu.memref_slice %arg6[%dma_start3A_73, %dma_start3A_74, %mul3A_13] : memref<3x1x1000000xf32, #tpu.memory_space<hbm>> -> memref<1x1x1024xf32, #tpu.memory_space<hbm>>
        %dma_start3A_82 = tpu.memref_squeeze %dma_start3A_81 : memref<1x1x1024xf32, #tpu.memory_space<hbm>> -> memref<1024xf32, #tpu.memory_space<hbm>>
        tpu.enqueue_dma source(%dma_start3A_82 : memref<1024xf32, #tpu.memory_space<hbm>>) target(%dma_start3A_80 : memref<1024xf32, #tpu.memory_space<vmem>>) target_semaphore(%arg18 : memref<!tpu.dma_semaphore, #tpu.memory_space<semaphore_mem>>)
        %dma_wait3A = arith.constant 0 : i32
        %dma_wait3A_83 = arith.constant 0 : i32
        %dma_wait3A_84 = tpu.memref_slice %arg10[%dma_wait3A, %dma_wait3A_83] : memref<3x1024xf32, #tpu.memory_space<vmem>> -> memref<3x1024xf32, #tpu.memory_space<vmem>>
        %dma_wait3A_85 = arith.constant 0 : i32
        %dma_wait3A_86 = tpu.memref_slice %arg2[%dma_wait3A_85, %mul3A_13] : memref<3x1000000xf32, #tpu.memory_space<hbm>> -> memref<3x1024xf32, #tpu.memory_space<hbm>>
        %dma_wait3A_87 = arith.constant 0 : i32
        %dma_wait3A_88 = arith.constant 0 : i32
        %dma_wait3A_89 = tpu.memref_slice %arg10[%dma_wait3A_87, %dma_wait3A_88] : memref<3x1024xf32, #tpu.memory_space<vmem>> -> memref<3x1024xf32, #tpu.memory_space<vmem>>
        %dma_wait3A_90 = arith.constant 0 : i32
        %dma_wait3A_91 = tpu.memref_slice %arg2[%dma_wait3A_90, %mul3A_13] : memref<3x1000000xf32, #tpu.memory_space<hbm>> -> memref<3x1024xf32, #tpu.memory_space<hbm>>
        tpu.wait_dma2 semaphore(%arg18 : memref<!tpu.dma_semaphore, #tpu.memory_space<semaphore_mem>>) src(%dma_wait3A_91 : memref<3x1024xf32, #tpu.memory_space<hbm>>) dst(%dma_wait3A_89 : memref<3x1024xf32, #tpu.memory_space<vmem>>)
        %dma_wait3A_92 = arith.constant 0 : i32
        %dma_wait3A_93 = arith.constant 0 : i32
        %dma_wait3A_94 = tpu.memref_slice %arg11[%dma_wait3A_92, %dma_wait3A_93] : memref<3x1024xf32, #tpu.memory_space<vmem>> -> memref<3x1024xf32, #tpu.memory_space<vmem>>
        %dma_wait3A_95 = arith.constant 0 : i32
        %dma_wait3A_96 = tpu.memref_slice %arg3[%dma_wait3A_95, %mul3A_13] : memref<3x1000000xf32, #tpu.memory_space<hbm>> -> memref<3x1024xf32, #tpu.memory_space<hbm>>
        %dma_wait3A_97 = arith.constant 0 : i32
        %dma_wait3A_98 = arith.constant 0 : i32
        %dma_wait3A_99 = tpu.memref_slice %arg11[%dma_wait3A_97, %dma_wait3A_98] : memref<3x1024xf32, #tpu.memory_space<vmem>> -> memref<3x1024xf32, #tpu.memory_space<vmem>>
        %dma_wait3A_100 = arith.constant 0 : i32
        %dma_wait3A_101 = tpu.memref_slice %arg3[%dma_wait3A_100, %mul3A_13] : memref<3x1000000xf32, #tpu.memory_space<hbm>> -> memref<3x1024xf32, #tpu.memory_space<hbm>>
        tpu.wait_dma2 semaphore(%arg18 : memref<!tpu.dma_semaphore, #tpu.memory_space<semaphore_mem>>) src(%dma_wait3A_101 : memref<3x1024xf32, #tpu.memory_space<hbm>>) dst(%dma_wait3A_99 : memref<3x1024xf32, #tpu.memory_space<vmem>>)
        %dma_wait3A_102 = arith.constant 0 : i32
        %dma_wait3A_103 = arith.constant 0 : i32
        %dma_wait3A_104 = tpu.memref_slice %arg12[%dma_wait3A_102, %dma_wait3A_103] : memref<4x1024xf32, #tpu.memory_space<vmem>> -> memref<4x1024xf32, #tpu.memory_space<vmem>>
        %dma_wait3A_105 = arith.constant 0 : i32
        %dma_wait3A_106 = tpu.memref_slice %arg4[%dma_wait3A_105, %mul3A_13] : memref<4x1000000xf32, #tpu.memory_space<hbm>> -> memref<4x1024xf32, #tpu.memory_space<hbm>>
        %dma_wait3A_107 = arith.constant 0 : i32
        %dma_wait3A_108 = arith.constant 0 : i32
        %dma_wait3A_109 = tpu.memref_slice %arg12[%dma_wait3A_107, %dma_wait3A_108] : memref<4x1024xf32, #tpu.memory_space<vmem>> -> memref<4x1024xf32, #tpu.memory_space<vmem>>
        %dma_wait3A_110 = arith.constant 0 : i32
        %dma_wait3A_111 = tpu.memref_slice %arg4[%dma_wait3A_110, %mul3A_13] : memref<4x1000000xf32, #tpu.memory_space<hbm>> -> memref<4x1024xf32, #tpu.memory_space<hbm>>
        tpu.wait_dma2 semaphore(%arg18 : memref<!tpu.dma_semaphore, #tpu.memory_space<semaphore_mem>>) src(%dma_wait3A_111 : memref<4x1024xf32, #tpu.memory_space<hbm>>) dst(%dma_wait3A_109 : memref<4x1024xf32, #tpu.memory_space<vmem>>)
        %dma_wait3A_112 = arith.constant 0 : i32
        %dma_wait3A_113 = arith.constant 0 : i32
        %dma_wait3A_114 = tpu.memref_slice %arg13[%dma_wait3A_112, %dma_wait3A_113] : memref<1x1024xf32, #tpu.memory_space<vmem>> -> memref<1x1024xf32, #tpu.memory_space<vmem>>
        %dma_wait3A_115 = arith.constant 0 : i32
        %dma_wait3A_116 = tpu.memref_slice %arg5[%dma_wait3A_115, %mul3A_13] : memref<1x1000000xf32, #tpu.memory_space<hbm>> -> memref<1x1024xf32, #tpu.memory_space<hbm>>
        %dma_wait3A_117 = arith.constant 0 : i32
        %dma_wait3A_118 = arith.constant 0 : i32
        %dma_wait3A_119 = tpu.memref_slice %arg13[%dma_wait3A_117, %dma_wait3A_118] : memref<1x1024xf32, #tpu.memory_space<vmem>> -> memref<1x1024xf32, #tpu.memory_space<vmem>>
        %dma_wait3A_120 = arith.constant 0 : i32
        %dma_wait3A_121 = tpu.memref_slice %arg5[%dma_wait3A_120, %mul3A_13] : memref<1x1000000xf32, #tpu.memory_space<hbm>> -> memref<1x1024xf32, #tpu.memory_space<hbm>>
        tpu.wait_dma2 semaphore(%arg18 : memref<!tpu.dma_semaphore, #tpu.memory_space<semaphore_mem>>) src(%dma_wait3A_121 : memref<1x1024xf32, #tpu.memory_space<hbm>>) dst(%dma_wait3A_119 : memref<1x1024xf32, #tpu.memory_space<vmem>>)
        %dma_wait3A_122 = arith.constant 0 : i32
        %dma_wait3A_123 = arith.constant 0 : i32
        %dma_wait3A_124 = arith.constant 0 : i32
        %dma_wait3A_125 = tpu.memref_slice %arg15[%dma_wait3A_124] : memref<1024xf32, #tpu.memory_space<vmem>> -> memref<1024xf32, #tpu.memory_space<vmem>>
        %dma_wait3A_126 = tpu.memref_slice %arg6[%dma_wait3A_122, %dma_wait3A_123, %mul3A_13] : memref<3x1x1000000xf32, #tpu.memory_space<hbm>> -> memref<1x1x1024xf32, #tpu.memory_space<hbm>>
        %dma_wait3A_127 = tpu.memref_squeeze %dma_wait3A_126 : memref<1x1x1024xf32, #tpu.memory_space<hbm>> -> memref<1024xf32, #tpu.memory_space<hbm>>
        %dma_wait3A_128 = arith.constant 0 : i32
        %dma_wait3A_129 = tpu.memref_slice %arg15[%dma_wait3A_128] : memref<1024xf32, #tpu.memory_space<vmem>> -> memref<1024xf32, #tpu.memory_space<vmem>>
        %dma_wait3A_130 = tpu.memref_slice %arg6[%dma_wait3A_122, %dma_wait3A_123, %mul3A_13] : memref<3x1x1000000xf32, #tpu.memory_space<hbm>> -> memref<1x1x1024xf32, #tpu.memory_space<hbm>>
        %dma_wait3A_131 = tpu.memref_squeeze %dma_wait3A_130 : memref<1x1x1024xf32, #tpu.memory_space<hbm>> -> memref<1024xf32, #tpu.memory_space<hbm>>
        tpu.wait_dma2 semaphore(%arg18 : memref<!tpu.dma_semaphore, #tpu.memory_space<semaphore_mem>>) src(%dma_wait3A_131 : memref<1024xf32, #tpu.memory_space<hbm>>) dst(%dma_wait3A_129 : memref<1024xf32, #tpu.memory_space<vmem>>)
        %dma_wait3A_132 = arith.constant 1 : i32
        %dma_wait3A_133 = arith.constant 0 : i32
        %dma_wait3A_134 = arith.constant 0 : i32
        %dma_wait3A_135 = tpu.memref_slice %arg16[%dma_wait3A_134] : memref<1024xf32, #tpu.memory_space<vmem>> -> memref<1024xf32, #tpu.memory_space<vmem>>
        %dma_wait3A_136 = tpu.memref_slice %arg6[%dma_wait3A_132, %dma_wait3A_133, %mul3A_13] : memref<3x1x1000000xf32, #tpu.memory_space<hbm>> -> memref<1x1x1024xf32, #tpu.memory_space<hbm>>
        %dma_wait3A_137 = tpu.memref_squeeze %dma_wait3A_136 : memref<1x1x1024xf32, #tpu.memory_space<hbm>> -> memref<1024xf32, #tpu.memory_space<hbm>>
        %dma_wait3A_138 = arith.constant 0 : i32
        %dma_wait3A_139 = tpu.memref_slice %arg16[%dma_wait3A_138] : memref<1024xf32, #tpu.memory_space<vmem>> -> memref<1024xf32, #tpu.memory_space<vmem>>
        %dma_wait3A_140 = tpu.memref_slice %arg6[%dma_wait3A_132, %dma_wait3A_133, %mul3A_13] : memref<3x1x1000000xf32, #tpu.memory_space<hbm>> -> memref<1x1x1024xf32, #tpu.memory_space<hbm>>
        %dma_wait3A_141 = tpu.memref_squeeze %dma_wait3A_140 : memref<1x1x1024xf32, #tpu.memory_space<hbm>> -> memref<1024xf32, #tpu.memory_space<hbm>>
        tpu.wait_dma2 semaphore(%arg18 : memref<!tpu.dma_semaphore, #tpu.memory_space<semaphore_mem>>) src(%dma_wait3A_141 : memref<1024xf32, #tpu.memory_space<hbm>>) dst(%dma_wait3A_139 : memref<1024xf32, #tpu.memory_space<vmem>>)
        %dma_wait3A_142 = arith.constant 2 : i32
        %dma_wait3A_143 = arith.constant 0 : i32
        %dma_wait3A_144 = arith.constant 0 : i32
        %dma_wait3A_145 = tpu.memref_slice %arg17[%dma_wait3A_144] : memref<1024xf32, #tpu.memory_space<vmem>> -> memref<1024xf32, #tpu.memory_space<vmem>>
        %dma_wait3A_146 = tpu.memref_slice %arg6[%dma_wait3A_142, %dma_wait3A_143, %mul3A_13] : memref<3x1x1000000xf32, #tpu.memory_space<hbm>> -> memref<1x1x1024xf32, #tpu.memory_space<hbm>>
        %dma_wait3A_147 = tpu.memref_squeeze %dma_wait3A_146 : memref<1x1x1024xf32, #tpu.memory_space<hbm>> -> memref<1024xf32, #tpu.memory_space<hbm>>
        %dma_wait3A_148 = arith.constant 0 : i32
        %dma_wait3A_149 = tpu.memref_slice %arg17[%dma_wait3A_148] : memref<1024xf32, #tpu.memory_space<vmem>> -> memref<1024xf32, #tpu.memory_space<vmem>>
        %dma_wait3A_150 = tpu.memref_slice %arg6[%dma_wait3A_142, %dma_wait3A_143, %mul3A_13] : memref<3x1x1000000xf32, #tpu.memory_space<hbm>> -> memref<1x1x1024xf32, #tpu.memory_space<hbm>>
        %dma_wait3A_151 = tpu.memref_squeeze %dma_wait3A_150 : memref<1x1x1024xf32, #tpu.memory_space<hbm>> -> memref<1024xf32, #tpu.memory_space<hbm>>
        tpu.wait_dma2 semaphore(%arg18 : memref<!tpu.dma_semaphore, #tpu.memory_space<semaphore_mem>>) src(%dma_wait3A_151 : memref<1024xf32, #tpu.memory_space<hbm>>) dst(%dma_wait3A_149 : memref<1024xf32, #tpu.memory_space<vmem>>)
        %scan3A_152 = arith.constant 0 : i32
        %scan3A_153 = arith.constant 0 : i32
        %scan3A_154 = arith.constant 64 : i32
        %scan3A_155 = arith.addi %scan3A_153, %scan3A_154 : i32
        %scan3A_156 = arith.constant 1 : i32
        scf.for %scan3A_274 = %scan3A_153 to %scan3A_155 step %scan3A_156  : i32 {
          %mul3A_275 = arith.constant 16 : i32
          %mul3A_276 = arith.muli %scan3A_274, %mul3A_275 : i32
          %get3A = arith.constant 0 : i32
          %get3A_277 = arith.index_cast %get3A : i32 to index
          %get3A_278 = arith.index_cast %mul3A_276 : i32 to index
          %get3A_279 = tpu.vector_load %arg10[%get3A_277, %get3A_278] {strides = array<i32>} : memref<3x1024xf32, #tpu.memory_space<vmem>>, vector<1x16xf32>,
          %get3A_280 = vector.shape_cast %get3A_279 : vector<1x16xf32> to vector<16xf32>
          %swap3A = arith.constant 0 : i32
          %swap3A_281 = arith.index_cast %swap3A : i32 to index
          %swap3A_282 = arith.index_cast %mul3A_276 : i32 to index
          %swap3A_283 = tpu.vector_load %arg9[%swap3A_281, %swap3A_282] {strides = array<i32>} : memref<59x1024xf32, #tpu.memory_space<vmem>>, vector<1x16xf32>,
          %swap3A_284 = vector.shape_cast %swap3A_283 : vector<1x16xf32> to vector<16xf32>
          %swap3A_285 = vector.shape_cast %get3A_280 : vector<16xf32> to vector<1x16xf32>
          tpu.vector_store %arg9[%swap3A_281, %swap3A_282], %swap3A_285 {strides = array<i32>} : memref<59x1024xf32, #tpu.memory_space<vmem>>, vector<1x16xf32>,
          %get3A_286 = arith.constant 1 : i32
          %get3A_287 = arith.index_cast %get3A_286 : i32 to index
          %get3A_288 = arith.index_cast %mul3A_276 : i32 to index
          %get3A_289 = tpu.vector_load %arg10[%get3A_287, %get3A_288] {strides = array<i32>} : memref<3x1024xf32, #tpu.memory_space<vmem>>, vector<1x16xf32>,
          %get3A_290 = vector.shape_cast %get3A_289 : vector<1x16xf32> to vector<16xf32>
          %swap3A_291 = arith.constant 1 : i32
          %swap3A_292 = arith.index_cast %swap3A_291 : i32 to index
          %swap3A_293 = arith.index_cast %mul3A_276 : i32 to index
          %swap3A_294 = tpu.vector_load %arg9[%swap3A_292, %swap3A_293] {strides = array<i32>} : memref<59x1024xf32, #tpu.memory_space<vmem>>, vector<1x16xf32>,
          %swap3A_295 = vector.shape_cast %swap3A_294 : vector<1x16xf32> to vector<16xf32>
          %swap3A_296 = vector.shape_cast %get3A_290 : vector<16xf32> to vector<1x16xf32>
          tpu.vector_store %arg9[%swap3A_292, %swap3A_293], %swap3A_296 {strides = array<i32>} : memref<59x1024xf32, #tpu.memory_space<vmem>>, vector<1x16xf32>,
          %get3A_297 = arith.constant 2 : i32
          %get3A_298 = arith.index_cast %get3A_297 : i32 to index
          %get3A_299 = arith.index_cast %mul3A_276 : i32 to index
          %get3A_300 = tpu.vector_load %arg10[%get3A_298, %get3A_299] {strides = array<i32>} : memref<3x1024xf32, #tpu.memory_space<vmem>>, vector<1x16xf32>,
          %get3A_301 = vector.shape_cast %get3A_300 : vector<1x16xf32> to vector<16xf32>
          %swap3A_302 = arith.constant 2 : i32
          %swap3A_303 = arith.index_cast %swap3A_302 : i32 to index
          %swap3A_304 = arith.index_cast %mul3A_276 : i32 to index
          %swap3A_305 = tpu.vector_load %arg9[%swap3A_303, %swap3A_304] {strides = array<i32>} : memref<59x1024xf32, #tpu.memory_space<vmem>>, vector<1x16xf32>,
          %swap3A_306 = vector.shape_cast %swap3A_305 : vector<1x16xf32> to vector<16xf32>
          %swap3A_307 = vector.shape_cast %get3A_301 : vector<16xf32> to vector<1x16xf32>
          tpu.vector_store %arg9[%swap3A_303, %swap3A_304], %swap3A_307 {strides = array<i32>} : memref<59x1024xf32, #tpu.memory_space<vmem>>, vector<1x16xf32>,
          %get3A_308 = arith.constant 0 : i32
          %get3A_309 = arith.index_cast %get3A_308 : i32 to index
          %get3A_310 = arith.index_cast %mul3A_276 : i32 to index
          %get3A_311 = tpu.vector_load %arg11[%get3A_309, %get3A_310] {strides = array<i32>} : memref<3x1024xf32, #tpu.memory_space<vmem>>, vector<1x16xf32>,
          %get3A_312 = vector.shape_cast %get3A_311 : vector<1x16xf32> to vector<16xf32>
          %exp3A = math.exp %get3A_312 : vector<16xf32>
          %swap3A_313 = arith.constant 3 : i32
          %swap3A_314 = arith.index_cast %swap3A_313 : i32 to index
          %swap3A_315 = arith.index_cast %mul3A_276 : i32 to index
          %swap3A_316 = tpu.vector_load %arg9[%swap3A_314, %swap3A_315] {strides = array<i32>} : memref<59x1024xf32, #tpu.memory_space<vmem>>, vector<1x16xf32>,
          %swap3A_317 = vector.shape_cast %swap3A_316 : vector<1x16xf32> to vector<16xf32>
          %swap3A_318 = vector.shape_cast %exp3A : vector<16xf32> to vector<1x16xf32>
          tpu.vector_store %arg9[%swap3A_314, %swap3A_315], %swap3A_318 {strides = array<i32>} : memref<59x1024xf32, #tpu.memory_space<vmem>>, vector<1x16xf32>,
          %get3A_319 = arith.constant 1 : i32
          %get3A_320 = arith.index_cast %get3A_319 : i32 to index
          %get3A_321 = arith.index_cast %mul3A_276 : i32 to index
          %get3A_322 = tpu.vector_load %arg11[%get3A_320, %get3A_321] {strides = array<i32>} : memref<3x1024xf32, #tpu.memory_space<vmem>>, vector<1x16xf32>,
          %get3A_323 = vector.shape_cast %get3A_322 : vector<1x16xf32> to vector<16xf32>
          %exp3A_324 = math.exp %get3A_323 : vector<16xf32>
          %swap3A_325 = arith.constant 4 : i32
          %swap3A_326 = arith.index_cast %swap3A_325 : i32 to index
          %swap3A_327 = arith.index_cast %mul3A_276 : i32 to index
          %swap3A_328 = tpu.vector_load %arg9[%swap3A_326, %swap3A_327] {strides = array<i32>} : memref<59x1024xf32, #tpu.memory_space<vmem>>, vector<1x16xf32>,
          %swap3A_329 = vector.shape_cast %swap3A_328 : vector<1x16xf32> to vector<16xf32>
          %swap3A_330 = vector.shape_cast %exp3A_324 : vector<16xf32> to vector<1x16xf32>
          tpu.vector_store %arg9[%swap3A_326, %swap3A_327], %swap3A_330 {strides = array<i32>} : memref<59x1024xf32, #tpu.memory_space<vmem>>, vector<1x16xf32>,
          %get3A_331 = arith.constant 2 : i32
          %get3A_332 = arith.index_cast %get3A_331 : i32 to index
          %get3A_333 = arith.index_cast %mul3A_276 : i32 to index
          %get3A_334 = tpu.vector_load %arg11[%get3A_332, %get3A_333] {strides = array<i32>} : memref<3x1024xf32, #tpu.memory_space<vmem>>, vector<1x16xf32>,
          %get3A_335 = vector.shape_cast %get3A_334 : vector<1x16xf32> to vector<16xf32>
          %exp3A_336 = math.exp %get3A_335 : vector<16xf32>
          %swap3A_337 = arith.constant 5 : i32
          %swap3A_338 = arith.index_cast %swap3A_337 : i32 to index
          %swap3A_339 = arith.index_cast %mul3A_276 : i32 to index
          %swap3A_340 = tpu.vector_load %arg9[%swap3A_338, %swap3A_339] {strides = array<i32>} : memref<59x1024xf32, #tpu.memory_space<vmem>>, vector<1x16xf32>,
          %swap3A_341 = vector.shape_cast %swap3A_340 : vector<1x16xf32> to vector<16xf32>
          %swap3A_342 = vector.shape_cast %exp3A_336 : vector<16xf32> to vector<1x16xf32>
          tpu.vector_store %arg9[%swap3A_338, %swap3A_339], %swap3A_342 {strides = array<i32>} : memref<59x1024xf32, #tpu.memory_space<vmem>>, vector<1x16xf32>,
          %get3A_343 = arith.constant 0 : i32
          %get3A_344 = arith.index_cast %get3A_343 : i32 to index
          %get3A_345 = arith.index_cast %mul3A_276 : i32 to index
          %get3A_346 = tpu.vector_load %arg12[%get3A_344, %get3A_345] {strides = array<i32>} : memref<4x1024xf32, #tpu.memory_space<vmem>>, vector<1x16xf32>,
          %get3A_347 = vector.shape_cast %get3A_346 : vector<1x16xf32> to vector<16xf32>
          %get3A_348 = arith.constant 1 : i32
          %get3A_349 = arith.index_cast %get3A_348 : i32 to index
          %get3A_350 = arith.index_cast %mul3A_276 : i32 to index
          %get3A_351 = tpu.vector_load %arg12[%get3A_349, %get3A_350] {strides = array<i32>} : memref<4x1024xf32, #tpu.memory_space<vmem>>, vector<1x16xf32>,
          %get3A_352 = vector.shape_cast %get3A_351 : vector<1x16xf32> to vector<16xf32>
          %get3A_353 = arith.constant 2 : i32
          %get3A_354 = arith.index_cast %get3A_353 : i32 to index
          %get3A_355 = arith.index_cast %mul3A_276 : i32 to index
          %get3A_356 = tpu.vector_load %arg12[%get3A_354, %get3A_355] {strides = array<i32>} : memref<4x1024xf32, #tpu.memory_space<vmem>>, vector<1x16xf32>,
          %get3A_357 = vector.shape_cast %get3A_356 : vector<1x16xf32> to vector<16xf32>
          %get3A_358 = arith.constant 3 : i32
          %get3A_359 = arith.index_cast %get3A_358 : i32 to index
          %get3A_360 = arith.index_cast %mul3A_276 : i32 to index
          %get3A_361 = tpu.vector_load %arg12[%get3A_359, %get3A_360] {strides = array<i32>} : memref<4x1024xf32, #tpu.memory_space<vmem>>, vector<1x16xf32>,
          %get3A_362 = vector.shape_cast %get3A_361 : vector<1x16xf32> to vector<16xf32>
          %mul3A_363 = arith.mulf %get3A_347, %get3A_347 : vector<16xf32>
          %mul3A_364 = arith.mulf %get3A_352, %get3A_352 : vector<16xf32>
          %add3A_365 = arith.addf %mul3A_363, %mul3A_364 : vector<16xf32>
          %mul3A_366 = arith.mulf %get3A_357, %get3A_357 : vector<16xf32>
          %add3A_367 = arith.addf %add3A_365, %mul3A_366 : vector<16xf32>
          %mul3A_368 = arith.mulf %get3A_362, %get3A_362 : vector<16xf32>
          %add3A_369 = arith.addf %add3A_367, %mul3A_368 : vector<16xf32>
          %ge3A = arith.constant 1.000000e-24 : f32
          %ge3A_370 = vector.broadcast %ge3A : f32 to vector<16xf32>
          %ge3A_371 = arith.cmpf oge, %add3A_369, %ge3A_370 : vector<16xf32>
          %bitcast_convert_type3A = tpu.bitcast %add3A_369 : vector<16xf32> -> vector<16xi32>
          %shift_right_arithmetic3A = arith.constant 1 : i32
          %shift_right_arithmetic3A_372 = vector.broadcast %shift_right_arithmetic3A : i32 to vector<16xi32>
          %shift_right_arithmetic3A_373 = arith.shrsi %bitcast_convert_type3A, %shift_right_arithmetic3A_372 : vector<16xi32>
          %sub3A = arith.constant 1597463007 : i32
          %sub3A_374 = vector.broadcast %sub3A : i32 to vector<16xi32>
          %sub3A_375 = arith.subi %sub3A_374, %shift_right_arithmetic3A_373 : vector<16xi32>
          %bitcast_convert_type3A_376 = tpu.bitcast %sub3A_375 : vector<16xi32> -> vector<16xf32>
          %mul3A_377 = arith.constant 5.000000e-01 : f32
          %mul3A_378 = vector.broadcast %mul3A_377 : f32 to vector<16xf32>
          %mul3A_379 = arith.mulf %mul3A_378, %add3A_369 : vector<16xf32>
          %mul3A_380 = arith.mulf %mul3A_379, %bitcast_convert_type3A_376 : vector<16xf32>
          %mul3A_381 = arith.mulf %mul3A_380, %bitcast_convert_type3A_376 : vector<16xf32>
          %sub3A_382 = arith.constant 1.500000e+00 : f32
          %sub3A_383 = vector.broadcast %sub3A_382 : f32 to vector<16xf32>
          %sub3A_384 = arith.subf %sub3A_383, %mul3A_381 : vector<16xf32>
          %mul3A_385 = arith.mulf %bitcast_convert_type3A_376, %sub3A_384 : vector<16xf32>
          %mul3A_386 = arith.constant 5.000000e-01 : f32
          %mul3A_387 = vector.broadcast %mul3A_386 : f32 to vector<16xf32>
          %mul3A_388 = arith.mulf %mul3A_387, %add3A_369 : vector<16xf32>
          %mul3A_389 = arith.mulf %mul3A_388, %mul3A_385 : vector<16xf32>
          %mul3A_390 = arith.mulf %mul3A_389, %mul3A_385 : vector<16xf32>
          %sub3A_391 = arith.constant 1.500000e+00 : f32
          %sub3A_392 = vector.broadcast %sub3A_391 : f32 to vector<16xf32>
          %sub3A_393 = arith.subf %sub3A_392, %mul3A_390 : vector<16xf32>
          %mul3A_394 = arith.mulf %mul3A_385, %sub3A_393 : vector<16xf32>
          %mul3A_395 = arith.constant 5.000000e-01 : f32
          %mul3A_396 = vector.broadcast %mul3A_395 : f32 to vector<16xf32>
          %mul3A_397 = arith.mulf %mul3A_396, %add3A_369 : vector<16xf32>
          %mul3A_398 = arith.mulf %mul3A_397, %mul3A_394 : vector<16xf32>
          %mul3A_399 = arith.mulf %mul3A_398, %mul3A_394 : vector<16xf32>
          %sub3A_400 = arith.constant 1.500000e+00 : f32
          %sub3A_401 = vector.broadcast %sub3A_400 : f32 to vector<16xf32>
          %sub3A_402 = arith.subf %sub3A_401, %mul3A_399 : vector<16xf32>
          %mul3A_403 = arith.mulf %mul3A_394, %sub3A_402 : vector<16xf32>
          %jit3A = arith.constant 9.99999995E+11 : f32
          %broadcast_in_dim3A = vector.broadcast %jit3A : f32 to vector<16xf32>
          %select_n3A = arith.select %ge3A_371, %mul3A_403, %broadcast_in_dim3A : vector<16xi1>, vector<16xf32>
          %mul3A_404 = arith.mulf %get3A_347, %select_n3A : vector<16xf32>
          %swap3A_405 = arith.constant 6 : i32
          %swap3A_406 = arith.index_cast %swap3A_405 : i32 to index
          %swap3A_407 = arith.index_cast %mul3A_276 : i32 to index
          %swap3A_408 = tpu.vector_load %arg9[%swap3A_406, %swap3A_407] {strides = array<i32>} : memref<59x1024xf32, #tpu.memory_space<vmem>>, vector<1x16xf32>,
          %swap3A_409 = vector.shape_cast %swap3A_408 : vector<1x16xf32> to vector<16xf32>
          %swap3A_410 = vector.shape_cast %mul3A_404 : vector<16xf32> to vector<1x16xf32>
          tpu.vector_store %arg9[%swap3A_406, %swap3A_407], %swap3A_410 {strides = array<i32>} : memref<59x1024xf32, #tpu.memory_space<vmem>>, vector<1x16xf32>,
          %mul3A_411 = arith.mulf %get3A_352, %select_n3A : vector<16xf32>
          %swap3A_412 = arith.constant 7 : i32
          %swap3A_413 = arith.index_cast %swap3A_412 : i32 to index
          %swap3A_414 = arith.index_cast %mul3A_276 : i32 to index
          %swap3A_415 = tpu.vector_load %arg9[%swap3A_413, %swap3A_414] {strides = array<i32>} : memref<59x1024xf32, #tpu.memory_space<vmem>>, vector<1x16xf32>,
          %swap3A_416 = vector.shape_cast %swap3A_415 : vector<1x16xf32> to vector<16xf32>
          %swap3A_417 = vector.shape_cast %mul3A_411 : vector<16xf32> to vector<1x16xf32>
          tpu.vector_store %arg9[%swap3A_413, %swap3A_414], %swap3A_417 {strides = array<i32>} : memref<59x1024xf32, #tpu.memory_space<vmem>>, vector<1x16xf32>,
          %mul3A_418 = arith.mulf %get3A_357, %select_n3A : vector<16xf32>
          %swap3A_419 = arith.constant 8 : i32
          %swap3A_420 = arith.index_cast %swap3A_419 : i32 to index
          %swap3A_421 = arith.index_cast %mul3A_276 : i32 to index
          %swap3A_422 = tpu.vector_load %arg9[%swap3A_420, %swap3A_421] {strides = array<i32>} : memref<59x1024xf32, #tpu.memory_space<vmem>>, vector<1x16xf32>,
          %swap3A_423 = vector.shape_cast %swap3A_422 : vector<1x16xf32> to vector<16xf32>
          %swap3A_424 = vector.shape_cast %mul3A_418 : vector<16xf32> to vector<1x16xf32>
          tpu.vector_store %arg9[%swap3A_420, %swap3A_421], %swap3A_424 {strides = array<i32>} : memref<59x1024xf32, #tpu.memory_space<vmem>>, vector<1x16xf32>,
          %mul3A_425 = arith.mulf %get3A_362, %select_n3A : vector<16xf32>
          %swap3A_426 = arith.constant 9 : i32
          %swap3A_427 = arith.index_cast %swap3A_426 : i32 to index
          %swap3A_428 = arith.index_cast %mul3A_276 : i32 to index
          %swap3A_429 = tpu.vector_load %arg9[%swap3A_427, %swap3A_428] {strides = array<i32>} : memref<59x1024xf32, #tpu.memory_space<vmem>>, vector<1x16xf32>,
          %swap3A_430 = vector.shape_cast %swap3A_429 : vector<1x16xf32> to vector<16xf32>
          %swap3A_431 = vector.shape_cast %mul3A_425 : vector<16xf32> to vector<1x16xf32>
          tpu.vector_store %arg9[%swap3A_427, %swap3A_428], %swap3A_431 {strides = array<i32>} : memref<59x1024xf32, #tpu.memory_space<vmem>>, vector<1x16xf32>,
          %get3A_432 = arith.constant 0 : i32
          %get3A_433 = arith.index_cast %get3A_432 : i32 to index
          %get3A_434 = arith.index_cast %mul3A_276 : i32 to index
          %get3A_435 = tpu.vector_load %arg13[%get3A_433, %get3A_434] {strides = array<i32>} : memref<1x1024xf32, #tpu.memory_space<vmem>>, vector<1x16xf32>,
          %get3A_436 = vector.shape_cast %get3A_435 : vector<1x16xf32> to vector<16xf32>
          %neg3A = arith.constant 0.000000e+00 : f32
          %neg3A_437 = vector.broadcast %neg3A : f32 to vector<16xf32>
          %neg3A_438 = arith.subf %neg3A_437, %get3A_436 : vector<16xf32>
          %exp3A_439 = math.exp %neg3A_438 : vector<16xf32>
          %add3A_440 = arith.constant 1.000000e+00 : f32
          %add3A_441 = vector.broadcast %add3A_440 : f32 to vector<16xf32>
          %add3A_442 = arith.addf %add3A_441, %exp3A_439 : vector<16xf32>
          %div3A = arith.constant 1.000000e+00 : f32
          %div3A_443 = vector.broadcast %div3A : f32 to vector<16xf32>
          %div3A_444 = arith.divf %div3A_443, %add3A_442 : vector<16xf32>
          %swap3A_445 = arith.constant 10 : i32
          %swap3A_446 = arith.index_cast %swap3A_445 : i32 to index
          %swap3A_447 = arith.index_cast %mul3A_276 : i32 to index
          %swap3A_448 = tpu.vector_load %arg9[%swap3A_446, %swap3A_447] {strides = array<i32>} : memref<59x1024xf32, #tpu.memory_space<vmem>>, vector<1x16xf32>,
          %swap3A_449 = vector.shape_cast %swap3A_448 : vector<1x16xf32> to vector<16xf32>
          %swap3A_450 = vector.shape_cast %div3A_444 : vector<16xf32> to vector<1x16xf32>
          tpu.vector_store %arg9[%swap3A_446, %swap3A_447], %swap3A_450 {strides = array<i32>} : memref<59x1024xf32, #tpu.memory_space<vmem>>, vector<1x16xf32>,
          %get3A_451 = arith.index_cast %mul3A_276 : i32 to index
          %get3A_452 = tpu.vector_load %arg15[%get3A_451] {strides = array<i32>} : memref<1024xf32, #tpu.memory_space<vmem>>, vector<16xf32>,
          %get3A_453 = vector.shape_cast %get3A_452 : vector<16xf32> to vector<16xf32>
          %swap3A_454 = arith.constant 11 : i32
          %swap3A_455 = arith.index_cast %swap3A_454 : i32 to index
          %swap3A_456 = arith.index_cast %mul3A_276 : i32 to index
          %swap3A_457 = tpu.vector_load %arg9[%swap3A_455, %swap3A_456] {strides = array<i32>} : memref<59x1024xf32, #tpu.memory_space<vmem>>, vector<1x16xf32>,
          %swap3A_458 = vector.shape_cast %swap3A_457 : vector<1x16xf32> to vector<16xf32>
          %swap3A_459 = vector.shape_cast %get3A_453 : vector<16xf32> to vector<1x16xf32>
          tpu.vector_store %arg9[%swap3A_455, %swap3A_456], %swap3A_459 {strides = array<i32>} : memref<59x1024xf32, #tpu.memory_space<vmem>>, vector<1x16xf32>,
          %get3A_460 = arith.index_cast %mul3A_276 : i32 to index
          %get3A_461 = tpu.vector_load %arg16[%get3A_460] {strides = array<i32>} : memref<1024xf32, #tpu.memory_space<vmem>>, vector<16xf32>,
          %get3A_462 = vector.shape_cast %get3A_461 : vector<16xf32> to vector<16xf32>
          %swap3A_463 = arith.constant 12 : i32
          %swap3A_464 = arith.index_cast %swap3A_463 : i32 to index
          %swap3A_465 = arith.index_cast %mul3A_276 : i32 to index
          %swap3A_466 = tpu.vector_load %arg9[%swap3A_464, %swap3A_465] {strides = array<i32>} : memref<59x1024xf32, #tpu.memory_space<vmem>>, vector<1x16xf32>,
          %swap3A_467 = vector.shape_cast %swap3A_466 : vector<1x16xf32> to vector<16xf32>
          %swap3A_468 = vector.shape_cast %get3A_462 : vector<16xf32> to vector<1x16xf32>
          tpu.vector_store %arg9[%swap3A_464, %swap3A_465], %swap3A_468 {strides = array<i32>} : memref<59x1024xf32, #tpu.memory_space<vmem>>, vector<1x16xf32>,
          %get3A_469 = arith.index_cast %mul3A_276 : i32 to index
          %get3A_470 = tpu.vector_load %arg17[%get3A_469] {strides = array<i32>} : memref<1024xf32, #tpu.memory_space<vmem>>, vector<16xf32>,
          %get3A_471 = vector.shape_cast %get3A_470 : vector<16xf32> to vector<16xf32>
          %swap3A_472 = arith.constant 13 : i32
          %swap3A_473 = arith.index_cast %swap3A_472 : i32 to index
          %swap3A_474 = arith.index_cast %mul3A_276 : i32 to index
          %swap3A_475 = tpu.vector_load %arg9[%swap3A_473, %swap3A_474] {strides = array<i32>} : memref<59x1024xf32, #tpu.memory_space<vmem>>, vector<1x16xf32>,
          %swap3A_476 = vector.shape_cast %swap3A_475 : vector<1x16xf32> to vector<16xf32>
          %swap3A_477 = vector.shape_cast %get3A_471 : vector<16xf32> to vector<1x16xf32>
          tpu.vector_store %arg9[%swap3A_473, %swap3A_474], %swap3A_477 {strides = array<i32>} : memref<59x1024xf32, #tpu.memory_space<vmem>>, vector<1x16xf32>,
        }
        %scan3A_157 = arith.constant 64 : i32
        %dma_start3A_158 = arith.constant 0 : i32
        %dma_start3A_159 = arith.constant 0 : i32
        %dma_start3A_160 = arith.constant 0 : i32
        %dma_start3A_161 = tpu.memref_slice %arg14[%dma_start3A_159, %dma_start3A_160] : memref<15x1024xf32, #tpu.memory_space<vmem>> -> memref<15x1024xf32, #tpu.memory_space<vmem>>
        %dma_start3A_162 = arith.constant 0 : i32
        %dma_start3A_163 = tpu.memref_slice %arg7[%dma_start3A_158, %dma_start3A_162, %mul3A_13] : memref<3x15x1000000xf32, #tpu.memory_space<hbm>> -> memref<1x15x1024xf32, #tpu.memory_space<hbm>>
        %dma_start3A_164 = tpu.memref_squeeze %dma_start3A_163 : memref<1x15x1024xf32, #tpu.memory_space<hbm>> -> memref<15x1024xf32, #tpu.memory_space<hbm>>
        %dma_start3A_165 = arith.constant 0 : i32
        %dma_start3A_166 = arith.constant 0 : i32
        %dma_start3A_167 = tpu.memref_slice %arg14[%dma_start3A_165, %dma_start3A_166] : memref<15x1024xf32, #tpu.memory_space<vmem>> -> memref<15x1024xf32, #tpu.memory_space<vmem>>
        %dma_start3A_168 = arith.constant 0 : i32
        %dma_start3A_169 = tpu.memref_slice %arg7[%dma_start3A_158, %dma_start3A_168, %mul3A_13] : memref<3x15x1000000xf32, #tpu.memory_space<hbm>> -> memref<1x15x1024xf32, #tpu.memory_space<hbm>>
        %dma_start3A_170 = tpu.memref_squeeze %dma_start3A_169 : memref<1x15x1024xf32, #tpu.memory_space<hbm>> -> memref<15x1024xf32, #tpu.memory_space<hbm>>
        tpu.enqueue_dma source(%dma_start3A_170 : memref<15x1024xf32, #tpu.memory_space<hbm>>) target(%dma_start3A_167 : memref<15x1024xf32, #tpu.memory_space<vmem>>) target_semaphore(%arg18 : memref<!tpu.dma_semaphore, #tpu.memory_space<semaphore_mem>>)
        %dma_wait3A_171 = arith.constant 0 : i32
        %dma_wait3A_172 = arith.constant 0 : i32
        %dma_wait3A_173 = arith.constant 0 : i32
        %dma_wait3A_174 = tpu.memref_slice %arg14[%dma_wait3A_172, %dma_wait3A_173] : memref<15x1024xf32, #tpu.memory_space<vmem>> -> memref<15x1024xf32, #tpu.memory_space<vmem>>
        %dma_wait3A_175 = arith.constant 0 : i32
        %dma_wait3A_176 = tpu.memref_slice %arg7[%dma_wait3A_171, %dma_wait3A_175, %mul3A_13] : memref<3x15x1000000xf32, #tpu.memory_space<hbm>> -> memref<1x15x1024xf32, #tpu.memory_space<hbm>>
        %dma_wait3A_177 = tpu.memref_squeeze %dma_wait3A_176 : memref<1x15x1024xf32, #tpu.memory_space<hbm>> -> memref<15x1024xf32, #tpu.memory_space<hbm>>
        %dma_wait3A_178 = arith.constant 0 : i32
        %dma_wait3A_179 = arith.constant 0 : i32
        %dma_wait3A_180 = tpu.memref_slice %arg14[%dma_wait3A_178, %dma_wait3A_179] : memref<15x1024xf32, #tpu.memory_space<vmem>> -> memref<15x1024xf32, #tpu.memory_space<vmem>>
        %dma_wait3A_181 = arith.constant 0 : i32
        %dma_wait3A_182 = tpu.memref_slice %arg7[%dma_wait3A_171, %dma_wait3A_181, %mul3A_13] : memref<3x15x1000000xf32, #tpu.memory_space<hbm>> -> memref<1x15x1024xf32, #tpu.memory_space<hbm>>
        %dma_wait3A_183 = tpu.memref_squeeze %dma_wait3A_182 : memref<1x15x1024xf32, #tpu.memory_space<hbm>> -> memref<15x1024xf32, #tpu.memory_space<hbm>>
        tpu.wait_dma2 semaphore(%arg18 : memref<!tpu.dma_semaphore, #tpu.memory_space<semaphore_mem>>) src(%dma_wait3A_183 : memref<15x1024xf32, #tpu.memory_space<hbm>>) dst(%dma_wait3A_180 : memref<15x1024xf32, #tpu.memory_space<vmem>>)
        %scan3A_184 = arith.constant 0 : i32
        %scan3A_185 = arith.constant 0 : i32
        %scan3A_186 = arith.constant 64 : i32
        %scan3A_187 = arith.addi %scan3A_185, %scan3A_186 : i32
        %scan3A_188 = arith.constant 1 : i32
        scf.for %scan3A_274 = %scan3A_185 to %scan3A_187 step %scan3A_188  : i32 {
          %mul3A_275 = arith.constant 16 : i32
          %mul3A_276 = arith.muli %scan3A_274, %mul3A_275 : i32
          %get3A = arith.constant 0 : i32
          %get3A_277 = arith.index_cast %get3A : i32 to index
          %get3A_278 = arith.index_cast %mul3A_276 : i32 to index
          %get3A_279 = tpu.vector_load %arg14[%get3A_277, %get3A_278] {strides = array<i32>} : memref<15x1024xf32, #tpu.memory_space<vmem>>, vector<1x16xf32>,
          %get3A_280 = vector.shape_cast %get3A_279 : vector<1x16xf32> to vector<16xf32>
          %swap3A = arith.constant 14 : i32
          %swap3A_281 = arith.index_cast %swap3A : i32 to index
          %swap3A_282 = arith.index_cast %mul3A_276 : i32 to index
          %swap3A_283 = tpu.vector_load %arg9[%swap3A_281, %swap3A_282] {strides = array<i32>} : memref<59x1024xf32, #tpu.memory_space<vmem>>, vector<1x16xf32>,
          %swap3A_284 = vector.shape_cast %swap3A_283 : vector<1x16xf32> to vector<16xf32>
          %swap3A_285 = vector.shape_cast %get3A_280 : vector<16xf32> to vector<1x16xf32>
          tpu.vector_store %arg9[%swap3A_281, %swap3A_282], %swap3A_285 {strides = array<i32>} : memref<59x1024xf32, #tpu.memory_space<vmem>>, vector<1x16xf32>,
          %get3A_286 = arith.constant 1 : i32
          %get3A_287 = arith.index_cast %get3A_286 : i32 to index
          %get3A_288 = arith.index_cast %mul3A_276 : i32 to index
          %get3A_289 = tpu.vector_load %arg14[%get3A_287, %get3A_288] {strides = array<i32>} : memref<15x1024xf32, #tpu.memory_space<vmem>>, vector<1x16xf32>,
          %get3A_290 = vector.shape_cast %get3A_289 : vector<1x16xf32> to vector<16xf32>
          %swap3A_291 = arith.constant 17 : i32
          %swap3A_292 = arith.index_cast %swap3A_291 : i32 to index
          %swap3A_293 = arith.index_cast %mul3A_276 : i32 to index
          %swap3A_294 = tpu.vector_load %arg9[%swap3A_292, %swap3A_293] {strides = array<i32>} : memref<59x1024xf32, #tpu.memory_space<vmem>>, vector<1x16xf32>,
          %swap3A_295 = vector.shape_cast %swap3A_294 : vector<1x16xf32> to vector<16xf32>
          %swap3A_296 = vector.shape_cast %get3A_290 : vector<16xf32> to vector<1x16xf32>
          tpu.vector_store %arg9[%swap3A_292, %swap3A_293], %swap3A_296 {strides = array<i32>} : memref<59x1024xf32, #tpu.memory_space<vmem>>, vector<1x16xf32>,
          %get3A_297 = arith.constant 2 : i32
          %get3A_298 = arith.index_cast %get3A_297 : i32 to index
          %get3A_299 = arith.index_cast %mul3A_276 : i32 to index
          %get3A_300 = tpu.vector_load %arg14[%get3A_298, %get3A_299] {strides = array<i32>} : memref<15x1024xf32, #tpu.memory_space<vmem>>, vector<1x16xf32>,
          %get3A_301 = vector.shape_cast %get3A_300 : vector<1x16xf32> to vector<16xf32>
          %swap3A_302 = arith.constant 20 : i32
          %swap3A_303 = arith.index_cast %swap3A_302 : i32 to index
          %swap3A_304 = arith.index_cast %mul3A_276 : i32 to index
          %swap3A_305 = tpu.vector_load %arg9[%swap3A_303, %swap3A_304] {strides = array<i32>} : memref<59x1024xf32, #tpu.memory_space<vmem>>, vector<1x16xf32>,
          %swap3A_306 = vector.shape_cast %swap3A_305 : vector<1x16xf32> to vector<16xf32>
          %swap3A_307 = vector.shape_cast %get3A_301 : vector<16xf32> to vector<1x16xf32>
          tpu.vector_store %arg9[%swap3A_303, %swap3A_304], %swap3A_307 {strides = array<i32>} : memref<59x1024xf32, #tpu.memory_space<vmem>>, vector<1x16xf32>,
          %get3A_308 = arith.constant 3 : i32
          %get3A_309 = arith.index_cast %get3A_308 : i32 to index
          %get3A_310 = arith.index_cast %mul3A_276 : i32 to index
          %get3A_311 = tpu.vector_load %arg14[%get3A_309, %get3A_310] {strides = array<i32>} : memref<15x1024xf32, #tpu.memory_space<vmem>>, vector<1x16xf32>,
          %get3A_312 = vector.shape_cast %get3A_311 : vector<1x16xf32> to vector<16xf32>
          %swap3A_313 = arith.constant 23 : i32
          %swap3A_314 = arith.index_cast %swap3A_313 : i32 to index
          %swap3A_315 = arith.index_cast %mul3A_276 : i32 to index
          %swap3A_316 = tpu.vector_load %arg9[%swap3A_314, %swap3A_315] {strides = array<i32>} : memref<59x1024xf32, #tpu.memory_space<vmem>>, vector<1x16xf32>,
          %swap3A_317 = vector.shape_cast %swap3A_316 : vector<1x16xf32> to vector<16xf32>
          %swap3A_318 = vector.shape_cast %get3A_312 : vector<16xf32> to vector<1x16xf32>
          tpu.vector_store %arg9[%swap3A_314, %swap3A_315], %swap3A_318 {strides = array<i32>} : memref<59x1024xf32, #tpu.memory_space<vmem>>, vector<1x16xf32>,
          %get3A_319 = arith.constant 4 : i32
          %get3A_320 = arith.index_cast %get3A_319 : i32 to index
          %get3A_321 = arith.index_cast %mul3A_276 : i32 to index
          %get3A_322 = tpu.vector_load %arg14[%get3A_320, %get3A_321] {strides = array<i32>} : memref<15x1024xf32, #tpu.memory_space<vmem>>, vector<1x16xf32>,
          %get3A_323 = vector.shape_cast %get3A_322 : vector<1x16xf32> to vector<16xf32>
          %swap3A_324 = arith.constant 26 : i32
          %swap3A_325 = arith.index_cast %swap3A_324 : i32 to index
          %swap3A_326 = arith.index_cast %mul3A_276 : i32 to index
          %swap3A_327 = tpu.vector_load %arg9[%swap3A_325, %swap3A_326] {strides = array<i32>} : memref<59x1024xf32, #tpu.memory_space<vmem>>, vector<1x16xf32>,
          %swap3A_328 = vector.shape_cast %swap3A_327 : vector<1x16xf32> to vector<16xf32>
          %swap3A_329 = vector.shape_cast %get3A_323 : vector<16xf32> to vector<1x16xf32>
          tpu.vector_store %arg9[%swap3A_325, %swap3A_326], %swap3A_329 {strides = array<i32>} : memref<59x1024xf32, #tpu.memory_space<vmem>>, vector<1x16xf32>,
          %get3A_330 = arith.constant 5 : i32
          %get3A_331 = arith.index_cast %get3A_330 : i32 to index
          %get3A_332 = arith.index_cast %mul3A_276 : i32 to index
          %get3A_333 = tpu.vector_load %arg14[%get3A_331, %get3A_332] {strides = array<i32>} : memref<15x1024xf32, #tpu.memory_space<vmem>>, vector<1x16xf32>,
          %get3A_334 = vector.shape_cast %get3A_333 : vector<1x16xf32> to vector<16xf32>
          %swap3A_335 = arith.constant 29 : i32
          %swap3A_336 = arith.index_cast %swap3A_335 : i32 to index
          %swap3A_337 = arith.index_cast %mul3A_276 : i32 to index
          %swap3A_338 = tpu.vector_load %arg9[%swap3A_336, %swap3A_337] {strides = array<i32>} : memref<59x1024xf32, #tpu.memory_space<vmem>>, vector<1x16xf32>,
          %swap3A_339 = vector.shape_cast %swap3A_338 : vector<1x16xf32> to vector<16xf32>
          %swap3A_340 = vector.shape_cast %get3A_334 : vector<16xf32> to vector<1x16xf32>
          tpu.vector_store %arg9[%swap3A_336, %swap3A_337], %swap3A_340 {strides = array<i32>} : memref<59x1024xf32, #tpu.memory_space<vmem>>, vector<1x16xf32>,
          %get3A_341 = arith.constant 6 : i32
          %get3A_342 = arith.index_cast %get3A_341 : i32 to index
          %get3A_343 = arith.index_cast %mul3A_276 : i32 to index
          %get3A_344 = tpu.vector_load %arg14[%get3A_342, %get3A_343] {strides = array<i32>} : memref<15x1024xf32, #tpu.memory_space<vmem>>, vector<1x16xf32>,
          %get3A_345 = vector.shape_cast %get3A_344 : vector<1x16xf32> to vector<16xf32>
          %swap3A_346 = arith.constant 32 : i32
          %swap3A_347 = arith.index_cast %swap3A_346 : i32 to index
          %swap3A_348 = arith.index_cast %mul3A_276 : i32 to index
          %swap3A_349 = tpu.vector_load %arg9[%swap3A_347, %swap3A_348] {strides = array<i32>} : memref<59x1024xf32, #tpu.memory_space<vmem>>, vector<1x16xf32>,
          %swap3A_350 = vector.shape_cast %swap3A_349 : vector<1x16xf32> to vector<16xf32>
          %swap3A_351 = vector.shape_cast %get3A_345 : vector<16xf32> to vector<1x16xf32>
          tpu.vector_store %arg9[%swap3A_347, %swap3A_348], %swap3A_351 {strides = array<i32>} : memref<59x1024xf32, #tpu.memory_space<vmem>>, vector<1x16xf32>,
          %get3A_352 = arith.constant 7 : i32
          %get3A_353 = arith.index_cast %get3A_352 : i32 to index
          %get3A_354 = arith.index_cast %mul3A_276 : i32 to index
          %get3A_355 = tpu.vector_load %arg14[%get3A_353, %get3A_354] {strides = array<i32>} : memref<15x1024xf32, #tpu.memory_space<vmem>>, vector<1x16xf32>,
          %get3A_356 = vector.shape_cast %get3A_355 : vector<1x16xf32> to vector<16xf32>
          %swap3A_357 = arith.constant 35 : i32
          %swap3A_358 = arith.index_cast %swap3A_357 : i32 to index
          %swap3A_359 = arith.index_cast %mul3A_276 : i32 to index
          %swap3A_360 = tpu.vector_load %arg9[%swap3A_358, %swap3A_359] {strides = array<i32>} : memref<59x1024xf32, #tpu.memory_space<vmem>>, vector<1x16xf32>,
          %swap3A_361 = vector.shape_cast %swap3A_360 : vector<1x16xf32> to vector<16xf32>
          %swap3A_362 = vector.shape_cast %get3A_356 : vector<16xf32> to vector<1x16xf32>
          tpu.vector_store %arg9[%swap3A_358, %swap3A_359], %swap3A_362 {strides = array<i32>} : memref<59x1024xf32, #tpu.memory_space<vmem>>, vector<1x16xf32>,
          %get3A_363 = arith.constant 8 : i32
          %get3A_364 = arith.index_cast %get3A_363 : i32 to index
          %get3A_365 = arith.index_cast %mul3A_276 : i32 to index
          %get3A_366 = tpu.vector_load %arg14[%get3A_364, %get3A_365] {strides = array<i32>} : memref<15x1024xf32, #tpu.memory_space<vmem>>, vector<1x16xf32>,
          %get3A_367 = vector.shape_cast %get3A_366 : vector<1x16xf32> to vector<16xf32>
          %swap3A_368 = arith.constant 38 : i32
          %swap3A_369 = arith.index_cast %swap3A_368 : i32 to index
          %swap3A_370 = arith.index_cast %mul3A_276 : i32 to index
          %swap3A_371 = tpu.vector_load %arg9[%swap3A_369, %swap3A_370] {strides = array<i32>} : memref<59x1024xf32, #tpu.memory_space<vmem>>, vector<1x16xf32>,
          %swap3A_372 = vector.shape_cast %swap3A_371 : vector<1x16xf32> to vector<16xf32>
          %swap3A_373 = vector.shape_cast %get3A_367 : vector<16xf32> to vector<1x16xf32>
          tpu.vector_store %arg9[%swap3A_369, %swap3A_370], %swap3A_373 {strides = array<i32>} : memref<59x1024xf32, #tpu.memory_space<vmem>>, vector<1x16xf32>,
          %get3A_374 = arith.constant 9 : i32
          %get3A_375 = arith.index_cast %get3A_374 : i32 to index
          %get3A_376 = arith.index_cast %mul3A_276 : i32 to index
          %get3A_377 = tpu.vector_load %arg14[%get3A_375, %get3A_376] {strides = array<i32>} : memref<15x1024xf32, #tpu.memory_space<vmem>>, vector<1x16xf32>,
          %get3A_378 = vector.shape_cast %get3A_377 : vector<1x16xf32> to vector<16xf32>
          %swap3A_379 = arith.constant 41 : i32
          %swap3A_380 = arith.index_cast %swap3A_379 : i32 to index
          %swap3A_381 = arith.index_cast %mul3A_276 : i32 to index
          %swap3A_382 = tpu.vector_load %arg9[%swap3A_380, %swap3A_381] {strides = array<i32>} : memref<59x1024xf32, #tpu.memory_space<vmem>>, vector<1x16xf32>,
          %swap3A_383 = vector.shape_cast %swap3A_382 : vector<1x16xf32> to vector<16xf32>
          %swap3A_384 = vector.shape_cast %get3A_378 : vector<16xf32> to vector<1x16xf32>
          tpu.vector_store %arg9[%swap3A_380, %swap3A_381], %swap3A_384 {strides = array<i32>} : memref<59x1024xf32, #tpu.memory_space<vmem>>, vector<1x16xf32>,
          %get3A_385 = arith.constant 10 : i32
          %get3A_386 = arith.index_cast %get3A_385 : i32 to index
          %get3A_387 = arith.index_cast %mul3A_276 : i32 to index
          %get3A_388 = tpu.vector_load %arg14[%get3A_386, %get3A_387] {strides = array<i32>} : memref<15x1024xf32, #tpu.memory_space<vmem>>, vector<1x16xf32>,
          %get3A_389 = vector.shape_cast %get3A_388 : vector<1x16xf32> to vector<16xf32>
          %swap3A_390 = arith.constant 44 : i32
          %swap3A_391 = arith.index_cast %swap3A_390 : i32 to index
          %swap3A_392 = arith.index_cast %mul3A_276 : i32 to index
          %swap3A_393 = tpu.vector_load %arg9[%swap3A_391, %swap3A_392] {strides = array<i32>} : memref<59x1024xf32, #tpu.memory_space<vmem>>, vector<1x16xf32>,
          %swap3A_394 = vector.shape_cast %swap3A_393 : vector<1x16xf32> to vector<16xf32>
          %swap3A_395 = vector.shape_cast %get3A_389 : vector<16xf32> to vector<1x16xf32>
          tpu.vector_store %arg9[%swap3A_391, %swap3A_392], %swap3A_395 {strides = array<i32>} : memref<59x1024xf32, #tpu.memory_space<vmem>>, vector<1x16xf32>,
          %get3A_396 = arith.constant 11 : i32
          %get3A_397 = arith.index_cast %get3A_396 : i32 to index
          %get3A_398 = arith.index_cast %mul3A_276 : i32 to index
          %get3A_399 = tpu.vector_load %arg14[%get3A_397, %get3A_398] {strides = array<i32>} : memref<15x1024xf32, #tpu.memory_space<vmem>>, vector<1x16xf32>,
          %get3A_400 = vector.shape_cast %get3A_399 : vector<1x16xf32> to vector<16xf32>
          %swap3A_401 = arith.constant 47 : i32
          %swap3A_402 = arith.index_cast %swap3A_401 : i32 to index
          %swap3A_403 = arith.index_cast %mul3A_276 : i32 to index
          %swap3A_404 = tpu.vector_load %arg9[%swap3A_402, %swap3A_403] {strides = array<i32>} : memref<59x1024xf32, #tpu.memory_space<vmem>>, vector<1x16xf32>,
          %swap3A_405 = vector.shape_cast %swap3A_404 : vector<1x16xf32> to vector<16xf32>
          %swap3A_406 = vector.shape_cast %get3A_400 : vector<16xf32> to vector<1x16xf32>
          tpu.vector_store %arg9[%swap3A_402, %swap3A_403], %swap3A_406 {strides = array<i32>} : memref<59x1024xf32, #tpu.memory_space<vmem>>, vector<1x16xf32>,
          %get3A_407 = arith.constant 12 : i32
          %get3A_408 = arith.index_cast %get3A_407 : i32 to index
          %get3A_409 = arith.index_cast %mul3A_276 : i32 to index
          %get3A_410 = tpu.vector_load %arg14[%get3A_408, %get3A_409] {strides = array<i32>} : memref<15x1024xf32, #tpu.memory_space<vmem>>, vector<1x16xf32>,
          %get3A_411 = vector.shape_cast %get3A_410 : vector<1x16xf32> to vector<16xf32>
          %swap3A_412 = arith.constant 50 : i32
          %swap3A_413 = arith.index_cast %swap3A_412 : i32 to index
          %swap3A_414 = arith.index_cast %mul3A_276 : i32 to index
          %swap3A_415 = tpu.vector_load %arg9[%swap3A_413, %swap3A_414] {strides = array<i32>} : memref<59x1024xf32, #tpu.memory_space<vmem>>, vector<1x16xf32>,
          %swap3A_416 = vector.shape_cast %swap3A_415 : vector<1x16xf32> to vector<16xf32>
          %swap3A_417 = vector.shape_cast %get3A_411 : vector<16xf32> to vector<1x16xf32>
          tpu.vector_store %arg9[%swap3A_413, %swap3A_414], %swap3A_417 {strides = array<i32>} : memref<59x1024xf32, #tpu.memory_space<vmem>>, vector<1x16xf32>,
          %get3A_418 = arith.constant 13 : i32
          %get3A_419 = arith.index_cast %get3A_418 : i32 to index
          %get3A_420 = arith.index_cast %mul3A_276 : i32 to index
          %get3A_421 = tpu.vector_load %arg14[%get3A_419, %get3A_420] {strides = array<i32>} : memref<15x1024xf32, #tpu.memory_space<vmem>>, vector<1x16xf32>,
          %get3A_422 = vector.shape_cast %get3A_421 : vector<1x16xf32> to vector<16xf32>
          %swap3A_423 = arith.constant 53 : i32
          %swap3A_424 = arith.index_cast %swap3A_423 : i32 to index
          %swap3A_425 = arith.index_cast %mul3A_276 : i32 to index
          %swap3A_426 = tpu.vector_load %arg9[%swap3A_424, %swap3A_425] {strides = array<i32>} : memref<59x1024xf32, #tpu.memory_space<vmem>>, vector<1x16xf32>,
          %swap3A_427 = vector.shape_cast %swap3A_426 : vector<1x16xf32> to vector<16xf32>
          %swap3A_428 = vector.shape_cast %get3A_422 : vector<16xf32> to vector<1x16xf32>
          tpu.vector_store %arg9[%swap3A_424, %swap3A_425], %swap3A_428 {strides = array<i32>} : memref<59x1024xf32, #tpu.memory_space<vmem>>, vector<1x16xf32>,
          %get3A_429 = arith.constant 14 : i32
          %get3A_430 = arith.index_cast %get3A_429 : i32 to index
          %get3A_431 = arith.index_cast %mul3A_276 : i32 to index
          %get3A_432 = tpu.vector_load %arg14[%get3A_430, %get3A_431] {strides = array<i32>} : memref<15x1024xf32, #tpu.memory_space<vmem>>, vector<1x16xf32>,
          %get3A_433 = vector.shape_cast %get3A_432 : vector<1x16xf32> to vector<16xf32>
          %swap3A_434 = arith.constant 56 : i32
          %swap3A_435 = arith.index_cast %swap3A_434 : i32 to index
          %swap3A_436 = arith.index_cast %mul3A_276 : i32 to index
          %swap3A_437 = tpu.vector_load %arg9[%swap3A_435, %swap3A_436] {strides = array<i32>} : memref<59x1024xf32, #tpu.memory_space<vmem>>, vector<1x16xf32>,
          %swap3A_438 = vector.shape_cast %swap3A_437 : vector<1x16xf32> to vector<16xf32>
          %swap3A_439 = vector.shape_cast %get3A_433 : vector<16xf32> to vector<1x16xf32>
          tpu.vector_store %arg9[%swap3A_435, %swap3A_436], %swap3A_439 {strides = array<i32>} : memref<59x1024xf32, #tpu.memory_space<vmem>>, vector<1x16xf32>,
        }
        %scan3A_189 = arith.constant 64 : i32
        %dma_start3A_190 = arith.constant 1 : i32
        %dma_start3A_191 = arith.constant 0 : i32
        %dma_start3A_192 = arith.constant 0 : i32
        %dma_start3A_193 = tpu.memref_slice %arg14[%dma_start3A_191, %dma_start3A_192] : memref<15x1024xf32, #tpu.memory_space<vmem>> -> memref<15x1024xf32, #tpu.memory_space<vmem>>
        %dma_start3A_194 = arith.constant 0 : i32
        %dma_start3A_195 = tpu.memref_slice %arg7[%dma_start3A_190, %dma_start3A_194, %mul3A_13] : memref<3x15x1000000xf32, #tpu.memory_space<hbm>> -> memref<1x15x1024xf32, #tpu.memory_space<hbm>>
        %dma_start3A_196 = tpu.memref_squeeze %dma_start3A_195 : memref<1x15x1024xf32, #tpu.memory_space<hbm>> -> memref<15x1024xf32, #tpu.memory_space<hbm>>
        %dma_start3A_197 = arith.constant 0 : i32
        %dma_start3A_198 = arith.constant 0 : i32
        %dma_start3A_199 = tpu.memref_slice %arg14[%dma_start3A_197, %dma_start3A_198] : memref<15x1024xf32, #tpu.memory_space<vmem>> -> memref<15x1024xf32, #tpu.memory_space<vmem>>
        %dma_start3A_200 = arith.constant 0 : i32
        %dma_start3A_201 = tpu.memref_slice %arg7[%dma_start3A_190, %dma_start3A_200, %mul3A_13] : memref<3x15x1000000xf32, #tpu.memory_space<hbm>> -> memref<1x15x1024xf32, #tpu.memory_space<hbm>>
        %dma_start3A_202 = tpu.memref_squeeze %dma_start3A_201 : memref<1x15x1024xf32, #tpu.memory_space<hbm>> -> memref<15x1024xf32, #tpu.memory_space<hbm>>
        tpu.enqueue_dma source(%dma_start3A_202 : memref<15x1024xf32, #tpu.memory_space<hbm>>) target(%dma_start3A_199 : memref<15x1024xf32, #tpu.memory_space<vmem>>) target_semaphore(%arg18 : memref<!tpu.dma_semaphore, #tpu.memory_space<semaphore_mem>>)
        %dma_wait3A_203 = arith.constant 1 : i32
        %dma_wait3A_204 = arith.constant 0 : i32
        %dma_wait3A_205 = arith.constant 0 : i32
        %dma_wait3A_206 = tpu.memref_slice %arg14[%dma_wait3A_204, %dma_wait3A_205] : memref<15x1024xf32, #tpu.memory_space<vmem>> -> memref<15x1024xf32, #tpu.memory_space<vmem>>
        %dma_wait3A_207 = arith.constant 0 : i32
        %dma_wait3A_208 = tpu.memref_slice %arg7[%dma_wait3A_203, %dma_wait3A_207, %mul3A_13] : memref<3x15x1000000xf32, #tpu.memory_space<hbm>> -> memref<1x15x1024xf32, #tpu.memory_space<hbm>>
        %dma_wait3A_209 = tpu.memref_squeeze %dma_wait3A_208 : memref<1x15x1024xf32, #tpu.memory_space<hbm>> -> memref<15x1024xf32, #tpu.memory_space<hbm>>
        %dma_wait3A_210 = arith.constant 0 : i32
        %dma_wait3A_211 = arith.constant 0 : i32
        %dma_wait3A_212 = tpu.memref_slice %arg14[%dma_wait3A_210, %dma_wait3A_211] : memref<15x1024xf32, #tpu.memory_space<vmem>> -> memref<15x1024xf32, #tpu.memory_space<vmem>>
        %dma_wait3A_213 = arith.constant 0 : i32
        %dma_wait3A_214 = tpu.memref_slice %arg7[%dma_wait3A_203, %dma_wait3A_213, %mul3A_13] : memref<3x15x1000000xf32, #tpu.memory_space<hbm>> -> memref<1x15x1024xf32, #tpu.memory_space<hbm>>
        %dma_wait3A_215 = tpu.memref_squeeze %dma_wait3A_214 : memref<1x15x1024xf32, #tpu.memory_space<hbm>> -> memref<15x1024xf32, #tpu.memory_space<hbm>>
        tpu.wait_dma2 semaphore(%arg18 : memref<!tpu.dma_semaphore, #tpu.memory_space<semaphore_mem>>) src(%dma_wait3A_215 : memref<15x1024xf32, #tpu.memory_space<hbm>>) dst(%dma_wait3A_212 : memref<15x1024xf32, #tpu.memory_space<vmem>>)
        %scan3A_216 = arith.constant 0 : i32
        %scan3A_217 = arith.constant 0 : i32
        %scan3A_218 = arith.constant 64 : i32
        %scan3A_219 = arith.addi %scan3A_217, %scan3A_218 : i32
        %scan3A_220 = arith.constant 1 : i32
        scf.for %scan3A_274 = %scan3A_217 to %scan3A_219 step %scan3A_220  : i32 {
          %mul3A_275 = arith.constant 16 : i32
          %mul3A_276 = arith.muli %scan3A_274, %mul3A_275 : i32
          %get3A = arith.constant 0 : i32
          %get3A_277 = arith.index_cast %get3A : i32 to index
          %get3A_278 = arith.index_cast %mul3A_276 : i32 to index
          %get3A_279 = tpu.vector_load %arg14[%get3A_277, %get3A_278] {strides = array<i32>} : memref<15x1024xf32, #tpu.memory_space<vmem>>, vector<1x16xf32>,
          %get3A_280 = vector.shape_cast %get3A_279 : vector<1x16xf32> to vector<16xf32>
          %swap3A = arith.constant 15 : i32
          %swap3A_281 = arith.index_cast %swap3A : i32 to index
          %swap3A_282 = arith.index_cast %mul3A_276 : i32 to index
          %swap3A_283 = tpu.vector_load %arg9[%swap3A_281, %swap3A_282] {strides = array<i32>} : memref<59x1024xf32, #tpu.memory_space<vmem>>, vector<1x16xf32>,
          %swap3A_284 = vector.shape_cast %swap3A_283 : vector<1x16xf32> to vector<16xf32>
          %swap3A_285 = vector.shape_cast %get3A_280 : vector<16xf32> to vector<1x16xf32>
          tpu.vector_store %arg9[%swap3A_281, %swap3A_282], %swap3A_285 {strides = array<i32>} : memref<59x1024xf32, #tpu.memory_space<vmem>>, vector<1x16xf32>,
          %get3A_286 = arith.constant 1 : i32
          %get3A_287 = arith.index_cast %get3A_286 : i32 to index
          %get3A_288 = arith.index_cast %mul3A_276 : i32 to index
          %get3A_289 = tpu.vector_load %arg14[%get3A_287, %get3A_288] {strides = array<i32>} : memref<15x1024xf32, #tpu.memory_space<vmem>>, vector<1x16xf32>,
          %get3A_290 = vector.shape_cast %get3A_289 : vector<1x16xf32> to vector<16xf32>
          %swap3A_291 = arith.constant 18 : i32
          %swap3A_292 = arith.index_cast %swap3A_291 : i32 to index
          %swap3A_293 = arith.index_cast %mul3A_276 : i32 to index
          %swap3A_294 = tpu.vector_load %arg9[%swap3A_292, %swap3A_293] {strides = array<i32>} : memref<59x1024xf32, #tpu.memory_space<vmem>>, vector<1x16xf32>,
          %swap3A_295 = vector.shape_cast %swap3A_294 : vector<1x16xf32> to vector<16xf32>
          %swap3A_296 = vector.shape_cast %get3A_290 : vector<16xf32> to vector<1x16xf32>
          tpu.vector_store %arg9[%swap3A_292, %swap3A_293], %swap3A_296 {strides = array<i32>} : memref<59x1024xf32, #tpu.memory_space<vmem>>, vector<1x16xf32>,
          %get3A_297 = arith.constant 2 : i32
          %get3A_298 = arith.index_cast %get3A_297 : i32 to index
          %get3A_299 = arith.index_cast %mul3A_276 : i32 to index
          %get3A_300 = tpu.vector_load %arg14[%get3A_298, %get3A_299] {strides = array<i32>} : memref<15x1024xf32, #tpu.memory_space<vmem>>, vector<1x16xf32>,
          %get3A_301 = vector.shape_cast %get3A_300 : vector<1x16xf32> to vector<16xf32>
          %swap3A_302 = arith.constant 21 : i32
          %swap3A_303 = arith.index_cast %swap3A_302 : i32 to index
          %swap3A_304 = arith.index_cast %mul3A_276 : i32 to index
          %swap3A_305 = tpu.vector_load %arg9[%swap3A_303, %swap3A_304] {strides = array<i32>} : memref<59x1024xf32, #tpu.memory_space<vmem>>, vector<1x16xf32>,
          %swap3A_306 = vector.shape_cast %swap3A_305 : vector<1x16xf32> to vector<16xf32>
          %swap3A_307 = vector.shape_cast %get3A_301 : vector<16xf32> to vector<1x16xf32>
          tpu.vector_store %arg9[%swap3A_303, %swap3A_304], %swap3A_307 {strides = array<i32>} : memref<59x1024xf32, #tpu.memory_space<vmem>>, vector<1x16xf32>,
          %get3A_308 = arith.constant 3 : i32
          %get3A_309 = arith.index_cast %get3A_308 : i32 to index
          %get3A_310 = arith.index_cast %mul3A_276 : i32 to index
          %get3A_311 = tpu.vector_load %arg14[%get3A_309, %get3A_310] {strides = array<i32>} : memref<15x1024xf32, #tpu.memory_space<vmem>>, vector<1x16xf32>,
          %get3A_312 = vector.shape_cast %get3A_311 : vector<1x16xf32> to vector<16xf32>
          %swap3A_313 = arith.constant 24 : i32
          %swap3A_314 = arith.index_cast %swap3A_313 : i32 to index
          %swap3A_315 = arith.index_cast %mul3A_276 : i32 to index
          %swap3A_316 = tpu.vector_load %arg9[%swap3A_314, %swap3A_315] {strides = array<i32>} : memref<59x1024xf32, #tpu.memory_space<vmem>>, vector<1x16xf32>,
          %swap3A_317 = vector.shape_cast %swap3A_316 : vector<1x16xf32> to vector<16xf32>
          %swap3A_318 = vector.shape_cast %get3A_312 : vector<16xf32> to vector<1x16xf32>
          tpu.vector_store %arg9[%swap3A_314, %swap3A_315], %swap3A_318 {strides = array<i32>} : memref<59x1024xf32, #tpu.memory_space<vmem>>, vector<1x16xf32>,
          %get3A_319 = arith.constant 4 : i32
          %get3A_320 = arith.index_cast %get3A_319 : i32 to index
          %get3A_321 = arith.index_cast %mul3A_276 : i32 to index
          %get3A_322 = tpu.vector_load %arg14[%get3A_320, %get3A_321] {strides = array<i32>} : memref<15x1024xf32, #tpu.memory_space<vmem>>, vector<1x16xf32>,
          %get3A_323 = vector.shape_cast %get3A_322 : vector<1x16xf32> to vector<16xf32>
          %swap3A_324 = arith.constant 27 : i32
          %swap3A_325 = arith.index_cast %swap3A_324 : i32 to index
          %swap3A_326 = arith.index_cast %mul3A_276 : i32 to index
          %swap3A_327 = tpu.vector_load %arg9[%swap3A_325, %swap3A_326] {strides = array<i32>} : memref<59x1024xf32, #tpu.memory_space<vmem>>, vector<1x16xf32>,
          %swap3A_328 = vector.shape_cast %swap3A_327 : vector<1x16xf32> to vector<16xf32>
          %swap3A_329 = vector.shape_cast %get3A_323 : vector<16xf32> to vector<1x16xf32>
          tpu.vector_store %arg9[%swap3A_325, %swap3A_326], %swap3A_329 {strides = array<i32>} : memref<59x1024xf32, #tpu.memory_space<vmem>>, vector<1x16xf32>,
          %get3A_330 = arith.constant 5 : i32
          %get3A_331 = arith.index_cast %get3A_330 : i32 to index
          %get3A_332 = arith.index_cast %mul3A_276 : i32 to index
          %get3A_333 = tpu.vector_load %arg14[%get3A_331, %get3A_332] {strides = array<i32>} : memref<15x1024xf32, #tpu.memory_space<vmem>>, vector<1x16xf32>,
          %get3A_334 = vector.shape_cast %get3A_333 : vector<1x16xf32> to vector<16xf32>
          %swap3A_335 = arith.constant 30 : i32
          %swap3A_336 = arith.index_cast %swap3A_335 : i32 to index
          %swap3A_337 = arith.index_cast %mul3A_276 : i32 to index
          %swap3A_338 = tpu.vector_load %arg9[%swap3A_336, %swap3A_337] {strides = array<i32>} : memref<59x1024xf32, #tpu.memory_space<vmem>>, vector<1x16xf32>,
          %swap3A_339 = vector.shape_cast %swap3A_338 : vector<1x16xf32> to vector<16xf32>
          %swap3A_340 = vector.shape_cast %get3A_334 : vector<16xf32> to vector<1x16xf32>
          tpu.vector_store %arg9[%swap3A_336, %swap3A_337], %swap3A_340 {strides = array<i32>} : memref<59x1024xf32, #tpu.memory_space<vmem>>, vector<1x16xf32>,
          %get3A_341 = arith.constant 6 : i32
          %get3A_342 = arith.index_cast %get3A_341 : i32 to index
          %get3A_343 = arith.index_cast %mul3A_276 : i32 to index
          %get3A_344 = tpu.vector_load %arg14[%get3A_342, %get3A_343] {strides = array<i32>} : memref<15x1024xf32, #tpu.memory_space<vmem>>, vector<1x16xf32>,
          %get3A_345 = vector.shape_cast %get3A_344 : vector<1x16xf32> to vector<16xf32>
          %swap3A_346 = arith.constant 33 : i32
          %swap3A_347 = arith.index_cast %swap3A_346 : i32 to index
          %swap3A_348 = arith.index_cast %mul3A_276 : i32 to index
          %swap3A_349 = tpu.vector_load %arg9[%swap3A_347, %swap3A_348] {strides = array<i32>} : memref<59x1024xf32, #tpu.memory_space<vmem>>, vector<1x16xf32>,
          %swap3A_350 = vector.shape_cast %swap3A_349 : vector<1x16xf32> to vector<16xf32>
          %swap3A_351 = vector.shape_cast %get3A_345 : vector<16xf32> to vector<1x16xf32>
          tpu.vector_store %arg9[%swap3A_347, %swap3A_348], %swap3A_351 {strides = array<i32>} : memref<59x1024xf32, #tpu.memory_space<vmem>>, vector<1x16xf32>,
          %get3A_352 = arith.constant 7 : i32
          %get3A_353 = arith.index_cast %get3A_352 : i32 to index
          %get3A_354 = arith.index_cast %mul3A_276 : i32 to index
          %get3A_355 = tpu.vector_load %arg14[%get3A_353, %get3A_354] {strides = array<i32>} : memref<15x1024xf32, #tpu.memory_space<vmem>>, vector<1x16xf32>,
          %get3A_356 = vector.shape_cast %get3A_355 : vector<1x16xf32> to vector<16xf32>
          %swap3A_357 = arith.constant 36 : i32
          %swap3A_358 = arith.index_cast %swap3A_357 : i32 to index
          %swap3A_359 = arith.index_cast %mul3A_276 : i32 to index
          %swap3A_360 = tpu.vector_load %arg9[%swap3A_358, %swap3A_359] {strides = array<i32>} : memref<59x1024xf32, #tpu.memory_space<vmem>>, vector<1x16xf32>,
          %swap3A_361 = vector.shape_cast %swap3A_360 : vector<1x16xf32> to vector<16xf32>
          %swap3A_362 = vector.shape_cast %get3A_356 : vector<16xf32> to vector<1x16xf32>
          tpu.vector_store %arg9[%swap3A_358, %swap3A_359], %swap3A_362 {strides = array<i32>} : memref<59x1024xf32, #tpu.memory_space<vmem>>, vector<1x16xf32>,
          %get3A_363 = arith.constant 8 : i32
          %get3A_364 = arith.index_cast %get3A_363 : i32 to index
          %get3A_365 = arith.index_cast %mul3A_276 : i32 to index
          %get3A_366 = tpu.vector_load %arg14[%get3A_364, %get3A_365] {strides = array<i32>} : memref<15x1024xf32, #tpu.memory_space<vmem>>, vector<1x16xf32>,
          %get3A_367 = vector.shape_cast %get3A_366 : vector<1x16xf32> to vector<16xf32>
          %swap3A_368 = arith.constant 39 : i32
          %swap3A_369 = arith.index_cast %swap3A_368 : i32 to index
          %swap3A_370 = arith.index_cast %mul3A_276 : i32 to index
          %swap3A_371 = tpu.vector_load %arg9[%swap3A_369, %swap3A_370] {strides = array<i32>} : memref<59x1024xf32, #tpu.memory_space<vmem>>, vector<1x16xf32>,
          %swap3A_372 = vector.shape_cast %swap3A_371 : vector<1x16xf32> to vector<16xf32>
          %swap3A_373 = vector.shape_cast %get3A_367 : vector<16xf32> to vector<1x16xf32>
          tpu.vector_store %arg9[%swap3A_369, %swap3A_370], %swap3A_373 {strides = array<i32>} : memref<59x1024xf32, #tpu.memory_space<vmem>>, vector<1x16xf32>,
          %get3A_374 = arith.constant 9 : i32
          %get3A_375 = arith.index_cast %get3A_374 : i32 to index
          %get3A_376 = arith.index_cast %mul3A_276 : i32 to index
          %get3A_377 = tpu.vector_load %arg14[%get3A_375, %get3A_376] {strides = array<i32>} : memref<15x1024xf32, #tpu.memory_space<vmem>>, vector<1x16xf32>,
          %get3A_378 = vector.shape_cast %get3A_377 : vector<1x16xf32> to vector<16xf32>
          %swap3A_379 = arith.constant 42 : i32
          %swap3A_380 = arith.index_cast %swap3A_379 : i32 to index
          %swap3A_381 = arith.index_cast %mul3A_276 : i32 to index
          %swap3A_382 = tpu.vector_load %arg9[%swap3A_380, %swap3A_381] {strides = array<i32>} : memref<59x1024xf32, #tpu.memory_space<vmem>>, vector<1x16xf32>,
          %swap3A_383 = vector.shape_cast %swap3A_382 : vector<1x16xf32> to vector<16xf32>
          %swap3A_384 = vector.shape_cast %get3A_378 : vector<16xf32> to vector<1x16xf32>
          tpu.vector_store %arg9[%swap3A_380, %swap3A_381], %swap3A_384 {strides = array<i32>} : memref<59x1024xf32, #tpu.memory_space<vmem>>, vector<1x16xf32>,
          %get3A_385 = arith.constant 10 : i32
          %get3A_386 = arith.index_cast %get3A_385 : i32 to index
          %get3A_387 = arith.index_cast %mul3A_276 : i32 to index
          %get3A_388 = tpu.vector_load %arg14[%get3A_386, %get3A_387] {strides = array<i32>} : memref<15x1024xf32, #tpu.memory_space<vmem>>, vector<1x16xf32>,
          %get3A_389 = vector.shape_cast %get3A_388 : vector<1x16xf32> to vector<16xf32>
          %swap3A_390 = arith.constant 45 : i32
          %swap3A_391 = arith.index_cast %swap3A_390 : i32 to index
          %swap3A_392 = arith.index_cast %mul3A_276 : i32 to index
          %swap3A_393 = tpu.vector_load %arg9[%swap3A_391, %swap3A_392] {strides = array<i32>} : memref<59x1024xf32, #tpu.memory_space<vmem>>, vector<1x16xf32>,
          %swap3A_394 = vector.shape_cast %swap3A_393 : vector<1x16xf32> to vector<16xf32>
          %swap3A_395 = vector.shape_cast %get3A_389 : vector<16xf32> to vector<1x16xf32>
          tpu.vector_store %arg9[%swap3A_391, %swap3A_392], %swap3A_395 {strides = array<i32>} : memref<59x1024xf32, #tpu.memory_space<vmem>>, vector<1x16xf32>,
          %get3A_396 = arith.constant 11 : i32
          %get3A_397 = arith.index_cast %get3A_396 : i32 to index
          %get3A_398 = arith.index_cast %mul3A_276 : i32 to index
          %get3A_399 = tpu.vector_load %arg14[%get3A_397, %get3A_398] {strides = array<i32>} : memref<15x1024xf32, #tpu.memory_space<vmem>>, vector<1x16xf32>,
          %get3A_400 = vector.shape_cast %get3A_399 : vector<1x16xf32> to vector<16xf32>
          %swap3A_401 = arith.constant 48 : i32
          %swap3A_402 = arith.index_cast %swap3A_401 : i32 to index
          %swap3A_403 = arith.index_cast %mul3A_276 : i32 to index
          %swap3A_404 = tpu.vector_load %arg9[%swap3A_402, %swap3A_403] {strides = array<i32>} : memref<59x1024xf32, #tpu.memory_space<vmem>>, vector<1x16xf32>,
          %swap3A_405 = vector.shape_cast %swap3A_404 : vector<1x16xf32> to vector<16xf32>
          %swap3A_406 = vector.shape_cast %get3A_400 : vector<16xf32> to vector<1x16xf32>
          tpu.vector_store %arg9[%swap3A_402, %swap3A_403], %swap3A_406 {strides = array<i32>} : memref<59x1024xf32, #tpu.memory_space<vmem>>, vector<1x16xf32>,
          %get3A_407 = arith.constant 12 : i32
          %get3A_408 = arith.index_cast %get3A_407 : i32 to index
          %get3A_409 = arith.index_cast %mul3A_276 : i32 to index
          %get3A_410 = tpu.vector_load %arg14[%get3A_408, %get3A_409] {strides = array<i32>} : memref<15x1024xf32, #tpu.memory_space<vmem>>, vector<1x16xf32>,
          %get3A_411 = vector.shape_cast %get3A_410 : vector<1x16xf32> to vector<16xf32>
          %swap3A_412 = arith.constant 51 : i32
          %swap3A_413 = arith.index_cast %swap3A_412 : i32 to index
          %swap3A_414 = arith.index_cast %mul3A_276 : i32 to index
          %swap3A_415 = tpu.vector_load %arg9[%swap3A_413, %swap3A_414] {strides = array<i32>} : memref<59x1024xf32, #tpu.memory_space<vmem>>, vector<1x16xf32>,
          %swap3A_416 = vector.shape_cast %swap3A_415 : vector<1x16xf32> to vector<16xf32>
          %swap3A_417 = vector.shape_cast %get3A_411 : vector<16xf32> to vector<1x16xf32>
          tpu.vector_store %arg9[%swap3A_413, %swap3A_414], %swap3A_417 {strides = array<i32>} : memref<59x1024xf32, #tpu.memory_space<vmem>>, vector<1x16xf32>,
          %get3A_418 = arith.constant 13 : i32
          %get3A_419 = arith.index_cast %get3A_418 : i32 to index
          %get3A_420 = arith.index_cast %mul3A_276 : i32 to index
          %get3A_421 = tpu.vector_load %arg14[%get3A_419, %get3A_420] {strides = array<i32>} : memref<15x1024xf32, #tpu.memory_space<vmem>>, vector<1x16xf32>,
          %get3A_422 = vector.shape_cast %get3A_421 : vector<1x16xf32> to vector<16xf32>
          %swap3A_423 = arith.constant 54 : i32
          %swap3A_424 = arith.index_cast %swap3A_423 : i32 to index
          %swap3A_425 = arith.index_cast %mul3A_276 : i32 to index
          %swap3A_426 = tpu.vector_load %arg9[%swap3A_424, %swap3A_425] {strides = array<i32>} : memref<59x1024xf32, #tpu.memory_space<vmem>>, vector<1x16xf32>,
          %swap3A_427 = vector.shape_cast %swap3A_426 : vector<1x16xf32> to vector<16xf32>
          %swap3A_428 = vector.shape_cast %get3A_422 : vector<16xf32> to vector<1x16xf32>
          tpu.vector_store %arg9[%swap3A_424, %swap3A_425], %swap3A_428 {strides = array<i32>} : memref<59x1024xf32, #tpu.memory_space<vmem>>, vector<1x16xf32>,
          %get3A_429 = arith.constant 14 : i32
          %get3A_430 = arith.index_cast %get3A_429 : i32 to index
          %get3A_431 = arith.index_cast %mul3A_276 : i32 to index
          %get3A_432 = tpu.vector_load %arg14[%get3A_430, %get3A_431] {strides = array<i32>} : memref<15x1024xf32, #tpu.memory_space<vmem>>, vector<1x16xf32>,
          %get3A_433 = vector.shape_cast %get3A_432 : vector<1x16xf32> to vector<16xf32>
          %swap3A_434 = arith.constant 57 : i32
          %swap3A_435 = arith.index_cast %swap3A_434 : i32 to index
          %swap3A_436 = arith.index_cast %mul3A_276 : i32 to index
          %swap3A_437 = tpu.vector_load %arg9[%swap3A_435, %swap3A_436] {strides = array<i32>} : memref<59x1024xf32, #tpu.memory_space<vmem>>, vector<1x16xf32>,
          %swap3A_438 = vector.shape_cast %swap3A_437 : vector<1x16xf32> to vector<16xf32>
          %swap3A_439 = vector.shape_cast %get3A_433 : vector<16xf32> to vector<1x16xf32>
          tpu.vector_store %arg9[%swap3A_435, %swap3A_436], %swap3A_439 {strides = array<i32>} : memref<59x1024xf32, #tpu.memory_space<vmem>>, vector<1x16xf32>,
        }
        %scan3A_221 = arith.constant 64 : i32
        %dma_start3A_222 = arith.constant 2 : i32
        %dma_start3A_223 = arith.constant 0 : i32
        %dma_start3A_224 = arith.constant 0 : i32
        %dma_start3A_225 = tpu.memref_slice %arg14[%dma_start3A_223, %dma_start3A_224] : memref<15x1024xf32, #tpu.memory_space<vmem>> -> memref<15x1024xf32, #tpu.memory_space<vmem>>
        %dma_start3A_226 = arith.constant 0 : i32
        %dma_start3A_227 = tpu.memref_slice %arg7[%dma_start3A_222, %dma_start3A_226, %mul3A_13] : memref<3x15x1000000xf32, #tpu.memory_space<hbm>> -> memref<1x15x1024xf32, #tpu.memory_space<hbm>>
        %dma_start3A_228 = tpu.memref_squeeze %dma_start3A_227 : memref<1x15x1024xf32, #tpu.memory_space<hbm>> -> memref<15x1024xf32, #tpu.memory_space<hbm>>
        %dma_start3A_229 = arith.constant 0 : i32
        %dma_start3A_230 = arith.constant 0 : i32
        %dma_start3A_231 = tpu.memref_slice %arg14[%dma_start3A_229, %dma_start3A_230] : memref<15x1024xf32, #tpu.memory_space<vmem>> -> memref<15x1024xf32, #tpu.memory_space<vmem>>
        %dma_start3A_232 = arith.constant 0 : i32
        %dma_start3A_233 = tpu.memref_slice %arg7[%dma_start3A_222, %dma_start3A_232, %mul3A_13] : memref<3x15x1000000xf32, #tpu.memory_space<hbm>> -> memref<1x15x1024xf32, #tpu.memory_space<hbm>>
        %dma_start3A_234 = tpu.memref_squeeze %dma_start3A_233 : memref<1x15x1024xf32, #tpu.memory_space<hbm>> -> memref<15x1024xf32, #tpu.memory_space<hbm>>
        tpu.enqueue_dma source(%dma_start3A_234 : memref<15x1024xf32, #tpu.memory_space<hbm>>) target(%dma_start3A_231 : memref<15x1024xf32, #tpu.memory_space<vmem>>) target_semaphore(%arg18 : memref<!tpu.dma_semaphore, #tpu.memory_space<semaphore_mem>>)
        %dma_wait3A_235 = arith.constant 2 : i32
        %dma_wait3A_236 = arith.constant 0 : i32
        %dma_wait3A_237 = arith.constant 0 : i32
        %dma_wait3A_238 = tpu.memref_slice %arg14[%dma_wait3A_236, %dma_wait3A_237] : memref<15x1024xf32, #tpu.memory_space<vmem>> -> memref<15x1024xf32, #tpu.memory_space<vmem>>
        %dma_wait3A_239 = arith.constant 0 : i32
        %dma_wait3A_240 = tpu.memref_slice %arg7[%dma_wait3A_235, %dma_wait3A_239, %mul3A_13] : memref<3x15x1000000xf32, #tpu.memory_space<hbm>> -> memref<1x15x1024xf32, #tpu.memory_space<hbm>>
        %dma_wait3A_241 = tpu.memref_squeeze %dma_wait3A_240 : memref<1x15x1024xf32, #tpu.memory_space<hbm>> -> memref<15x1024xf32, #tpu.memory_space<hbm>>
        %dma_wait3A_242 = arith.constant 0 : i32
        %dma_wait3A_243 = arith.constant 0 : i32
        %dma_wait3A_244 = tpu.memref_slice %arg14[%dma_wait3A_242, %dma_wait3A_243] : memref<15x1024xf32, #tpu.memory_space<vmem>> -> memref<15x1024xf32, #tpu.memory_space<vmem>>
        %dma_wait3A_245 = arith.constant 0 : i32
        %dma_wait3A_246 = tpu.memref_slice %arg7[%dma_wait3A_235, %dma_wait3A_245, %mul3A_13] : memref<3x15x1000000xf32, #tpu.memory_space<hbm>> -> memref<1x15x1024xf32, #tpu.memory_space<hbm>>
        %dma_wait3A_247 = tpu.memref_squeeze %dma_wait3A_246 : memref<1x15x1024xf32, #tpu.memory_space<hbm>> -> memref<15x1024xf32, #tpu.memory_space<hbm>>
        tpu.wait_dma2 semaphore(%arg18 : memref<!tpu.dma_semaphore, #tpu.memory_space<semaphore_mem>>) src(%dma_wait3A_247 : memref<15x1024xf32, #tpu.memory_space<hbm>>) dst(%dma_wait3A_244 : memref<15x1024xf32, #tpu.memory_space<vmem>>)
        %scan3A_248 = arith.constant 0 : i32
        %scan3A_249 = arith.constant 0 : i32
        %scan3A_250 = arith.constant 64 : i32
        %scan3A_251 = arith.addi %scan3A_249, %scan3A_250 : i32
        %scan3A_252 = arith.constant 1 : i32
        scf.for %scan3A_274 = %scan3A_249 to %scan3A_251 step %scan3A_252  : i32 {
          %mul3A_275 = arith.constant 16 : i32
          %mul3A_276 = arith.muli %scan3A_274, %mul3A_275 : i32
          %get3A = arith.constant 0 : i32
          %get3A_277 = arith.index_cast %get3A : i32 to index
          %get3A_278 = arith.index_cast %mul3A_276 : i32 to index
          %get3A_279 = tpu.vector_load %arg14[%get3A_277, %get3A_278] {strides = array<i32>} : memref<15x1024xf32, #tpu.memory_space<vmem>>, vector<1x16xf32>,
          %get3A_280 = vector.shape_cast %get3A_279 : vector<1x16xf32> to vector<16xf32>
          %swap3A = arith.constant 16 : i32
          %swap3A_281 = arith.index_cast %swap3A : i32 to index
          %swap3A_282 = arith.index_cast %mul3A_276 : i32 to index
          %swap3A_283 = tpu.vector_load %arg9[%swap3A_281, %swap3A_282] {strides = array<i32>} : memref<59x1024xf32, #tpu.memory_space<vmem>>, vector<1x16xf32>,
          %swap3A_284 = vector.shape_cast %swap3A_283 : vector<1x16xf32> to vector<16xf32>
          %swap3A_285 = vector.shape_cast %get3A_280 : vector<16xf32> to vector<1x16xf32>
          tpu.vector_store %arg9[%swap3A_281, %swap3A_282], %swap3A_285 {strides = array<i32>} : memref<59x1024xf32, #tpu.memory_space<vmem>>, vector<1x16xf32>,
          %get3A_286 = arith.constant 1 : i32
          %get3A_287 = arith.index_cast %get3A_286 : i32 to index
          %get3A_288 = arith.index_cast %mul3A_276 : i32 to index
          %get3A_289 = tpu.vector_load %arg14[%get3A_287, %get3A_288] {strides = array<i32>} : memref<15x1024xf32, #tpu.memory_space<vmem>>, vector<1x16xf32>,
          %get3A_290 = vector.shape_cast %get3A_289 : vector<1x16xf32> to vector<16xf32>
          %swap3A_291 = arith.constant 19 : i32
          %swap3A_292 = arith.index_cast %swap3A_291 : i32 to index
          %swap3A_293 = arith.index_cast %mul3A_276 : i32 to index
          %swap3A_294 = tpu.vector_load %arg9[%swap3A_292, %swap3A_293] {strides = array<i32>} : memref<59x1024xf32, #tpu.memory_space<vmem>>, vector<1x16xf32>,
          %swap3A_295 = vector.shape_cast %swap3A_294 : vector<1x16xf32> to vector<16xf32>
          %swap3A_296 = vector.shape_cast %get3A_290 : vector<16xf32> to vector<1x16xf32>
          tpu.vector_store %arg9[%swap3A_292, %swap3A_293], %swap3A_296 {strides = array<i32>} : memref<59x1024xf32, #tpu.memory_space<vmem>>, vector<1x16xf32>,
          %get3A_297 = arith.constant 2 : i32
          %get3A_298 = arith.index_cast %get3A_297 : i32 to index
          %get3A_299 = arith.index_cast %mul3A_276 : i32 to index
          %get3A_300 = tpu.vector_load %arg14[%get3A_298, %get3A_299] {strides = array<i32>} : memref<15x1024xf32, #tpu.memory_space<vmem>>, vector<1x16xf32>,
          %get3A_301 = vector.shape_cast %get3A_300 : vector<1x16xf32> to vector<16xf32>
          %swap3A_302 = arith.constant 22 : i32
          %swap3A_303 = arith.index_cast %swap3A_302 : i32 to index
          %swap3A_304 = arith.index_cast %mul3A_276 : i32 to index
          %swap3A_305 = tpu.vector_load %arg9[%swap3A_303, %swap3A_304] {strides = array<i32>} : memref<59x1024xf32, #tpu.memory_space<vmem>>, vector<1x16xf32>,
          %swap3A_306 = vector.shape_cast %swap3A_305 : vector<1x16xf32> to vector<16xf32>
          %swap3A_307 = vector.shape_cast %get3A_301 : vector<16xf32> to vector<1x16xf32>
          tpu.vector_store %arg9[%swap3A_303, %swap3A_304], %swap3A_307 {strides = array<i32>} : memref<59x1024xf32, #tpu.memory_space<vmem>>, vector<1x16xf32>,
          %get3A_308 = arith.constant 3 : i32
          %get3A_309 = arith.index_cast %get3A_308 : i32 to index
          %get3A_310 = arith.index_cast %mul3A_276 : i32 to index
          %get3A_311 = tpu.vector_load %arg14[%get3A_309, %get3A_310] {strides = array<i32>} : memref<15x1024xf32, #tpu.memory_space<vmem>>, vector<1x16xf32>,
          %get3A_312 = vector.shape_cast %get3A_311 : vector<1x16xf32> to vector<16xf32>
          %swap3A_313 = arith.constant 25 : i32
          %swap3A_314 = arith.index_cast %swap3A_313 : i32 to index
          %swap3A_315 = arith.index_cast %mul3A_276 : i32 to index
          %swap3A_316 = tpu.vector_load %arg9[%swap3A_314, %swap3A_315] {strides = array<i32>} : memref<59x1024xf32, #tpu.memory_space<vmem>>, vector<1x16xf32>,
          %swap3A_317 = vector.shape_cast %swap3A_316 : vector<1x16xf32> to vector<16xf32>
          %swap3A_318 = vector.shape_cast %get3A_312 : vector<16xf32> to vector<1x16xf32>
          tpu.vector_store %arg9[%swap3A_314, %swap3A_315], %swap3A_318 {strides = array<i32>} : memref<59x1024xf32, #tpu.memory_space<vmem>>, vector<1x16xf32>,
          %get3A_319 = arith.constant 4 : i32
          %get3A_320 = arith.index_cast %get3A_319 : i32 to index
          %get3A_321 = arith.index_cast %mul3A_276 : i32 to index
          %get3A_322 = tpu.vector_load %arg14[%get3A_320, %get3A_321] {strides = array<i32>} : memref<15x1024xf32, #tpu.memory_space<vmem>>, vector<1x16xf32>,
          %get3A_323 = vector.shape_cast %get3A_322 : vector<1x16xf32> to vector<16xf32>
          %swap3A_324 = arith.constant 28 : i32
          %swap3A_325 = arith.index_cast %swap3A_324 : i32 to index
          %swap3A_326 = arith.index_cast %mul3A_276 : i32 to index
          %swap3A_327 = tpu.vector_load %arg9[%swap3A_325, %swap3A_326] {strides = array<i32>} : memref<59x1024xf32, #tpu.memory_space<vmem>>, vector<1x16xf32>,
          %swap3A_328 = vector.shape_cast %swap3A_327 : vector<1x16xf32> to vector<16xf32>
          %swap3A_329 = vector.shape_cast %get3A_323 : vector<16xf32> to vector<1x16xf32>
          tpu.vector_store %arg9[%swap3A_325, %swap3A_326], %swap3A_329 {strides = array<i32>} : memref<59x1024xf32, #tpu.memory_space<vmem>>, vector<1x16xf32>,
          %get3A_330 = arith.constant 5 : i32
          %get3A_331 = arith.index_cast %get3A_330 : i32 to index
          %get3A_332 = arith.index_cast %mul3A_276 : i32 to index
          %get3A_333 = tpu.vector_load %arg14[%get3A_331, %get3A_332] {strides = array<i32>} : memref<15x1024xf32, #tpu.memory_space<vmem>>, vector<1x16xf32>,
          %get3A_334 = vector.shape_cast %get3A_333 : vector<1x16xf32> to vector<16xf32>
          %swap3A_335 = arith.constant 31 : i32
          %swap3A_336 = arith.index_cast %swap3A_335 : i32 to index
          %swap3A_337 = arith.index_cast %mul3A_276 : i32 to index
          %swap3A_338 = tpu.vector_load %arg9[%swap3A_336, %swap3A_337] {strides = array<i32>} : memref<59x1024xf32, #tpu.memory_space<vmem>>, vector<1x16xf32>,
          %swap3A_339 = vector.shape_cast %swap3A_338 : vector<1x16xf32> to vector<16xf32>
          %swap3A_340 = vector.shape_cast %get3A_334 : vector<16xf32> to vector<1x16xf32>
          tpu.vector_store %arg9[%swap3A_336, %swap3A_337], %swap3A_340 {strides = array<i32>} : memref<59x1024xf32, #tpu.memory_space<vmem>>, vector<1x16xf32>,
          %get3A_341 = arith.constant 6 : i32
          %get3A_342 = arith.index_cast %get3A_341 : i32 to index
          %get3A_343 = arith.index_cast %mul3A_276 : i32 to index
          %get3A_344 = tpu.vector_load %arg14[%get3A_342, %get3A_343] {strides = array<i32>} : memref<15x1024xf32, #tpu.memory_space<vmem>>, vector<1x16xf32>,
          %get3A_345 = vector.shape_cast %get3A_344 : vector<1x16xf32> to vector<16xf32>
          %swap3A_346 = arith.constant 34 : i32
          %swap3A_347 = arith.index_cast %swap3A_346 : i32 to index
          %swap3A_348 = arith.index_cast %mul3A_276 : i32 to index
          %swap3A_349 = tpu.vector_load %arg9[%swap3A_347, %swap3A_348] {strides = array<i32>} : memref<59x1024xf32, #tpu.memory_space<vmem>>, vector<1x16xf32>,
          %swap3A_350 = vector.shape_cast %swap3A_349 : vector<1x16xf32> to vector<16xf32>
          %swap3A_351 = vector.shape_cast %get3A_345 : vector<16xf32> to vector<1x16xf32>
          tpu.vector_store %arg9[%swap3A_347, %swap3A_348], %swap3A_351 {strides = array<i32>} : memref<59x1024xf32, #tpu.memory_space<vmem>>, vector<1x16xf32>,
          %get3A_352 = arith.constant 7 : i32
          %get3A_353 = arith.index_cast %get3A_352 : i32 to index
          %get3A_354 = arith.index_cast %mul3A_276 : i32 to index
          %get3A_355 = tpu.vector_load %arg14[%get3A_353, %get3A_354] {strides = array<i32>} : memref<15x1024xf32, #tpu.memory_space<vmem>>, vector<1x16xf32>,
          %get3A_356 = vector.shape_cast %get3A_355 : vector<1x16xf32> to vector<16xf32>
          %swap3A_357 = arith.constant 37 : i32
          %swap3A_358 = arith.index_cast %swap3A_357 : i32 to index
          %swap3A_359 = arith.index_cast %mul3A_276 : i32 to index
          %swap3A_360 = tpu.vector_load %arg9[%swap3A_358, %swap3A_359] {strides = array<i32>} : memref<59x1024xf32, #tpu.memory_space<vmem>>, vector<1x16xf32>,
          %swap3A_361 = vector.shape_cast %swap3A_360 : vector<1x16xf32> to vector<16xf32>
          %swap3A_362 = vector.shape_cast %get3A_356 : vector<16xf32> to vector<1x16xf32>
          tpu.vector_store %arg9[%swap3A_358, %swap3A_359], %swap3A_362 {strides = array<i32>} : memref<59x1024xf32, #tpu.memory_space<vmem>>, vector<1x16xf32>,
          %get3A_363 = arith.constant 8 : i32
          %get3A_364 = arith.index_cast %get3A_363 : i32 to index
          %get3A_365 = arith.index_cast %mul3A_276 : i32 to index
          %get3A_366 = tpu.vector_load %arg14[%get3A_364, %get3A_365] {strides = array<i32>} : memref<15x1024xf32, #tpu.memory_space<vmem>>, vector<1x16xf32>,
          %get3A_367 = vector.shape_cast %get3A_366 : vector<1x16xf32> to vector<16xf32>
          %swap3A_368 = arith.constant 40 : i32
          %swap3A_369 = arith.index_cast %swap3A_368 : i32 to index
          %swap3A_370 = arith.index_cast %mul3A_276 : i32 to index
          %swap3A_371 = tpu.vector_load %arg9[%swap3A_369, %swap3A_370] {strides = array<i32>} : memref<59x1024xf32, #tpu.memory_space<vmem>>, vector<1x16xf32>,
          %swap3A_372 = vector.shape_cast %swap3A_371 : vector<1x16xf32> to vector<16xf32>
          %swap3A_373 = vector.shape_cast %get3A_367 : vector<16xf32> to vector<1x16xf32>
          tpu.vector_store %arg9[%swap3A_369, %swap3A_370], %swap3A_373 {strides = array<i32>} : memref<59x1024xf32, #tpu.memory_space<vmem>>, vector<1x16xf32>,
          %get3A_374 = arith.constant 9 : i32
          %get3A_375 = arith.index_cast %get3A_374 : i32 to index
          %get3A_376 = arith.index_cast %mul3A_276 : i32 to index
          %get3A_377 = tpu.vector_load %arg14[%get3A_375, %get3A_376] {strides = array<i32>} : memref<15x1024xf32, #tpu.memory_space<vmem>>, vector<1x16xf32>,
          %get3A_378 = vector.shape_cast %get3A_377 : vector<1x16xf32> to vector<16xf32>
          %swap3A_379 = arith.constant 43 : i32
          %swap3A_380 = arith.index_cast %swap3A_379 : i32 to index
          %swap3A_381 = arith.index_cast %mul3A_276 : i32 to index
          %swap3A_382 = tpu.vector_load %arg9[%swap3A_380, %swap3A_381] {strides = array<i32>} : memref<59x1024xf32, #tpu.memory_space<vmem>>, vector<1x16xf32>,
          %swap3A_383 = vector.shape_cast %swap3A_382 : vector<1x16xf32> to vector<16xf32>
          %swap3A_384 = vector.shape_cast %get3A_378 : vector<16xf32> to vector<1x16xf32>
          tpu.vector_store %arg9[%swap3A_380, %swap3A_381], %swap3A_384 {strides = array<i32>} : memref<59x1024xf32, #tpu.memory_space<vmem>>, vector<1x16xf32>,
          %get3A_385 = arith.constant 10 : i32
          %get3A_386 = arith.index_cast %get3A_385 : i32 to index
          %get3A_387 = arith.index_cast %mul3A_276 : i32 to index
          %get3A_388 = tpu.vector_load %arg14[%get3A_386, %get3A_387] {strides = array<i32>} : memref<15x1024xf32, #tpu.memory_space<vmem>>, vector<1x16xf32>,
          %get3A_389 = vector.shape_cast %get3A_388 : vector<1x16xf32> to vector<16xf32>
          %swap3A_390 = arith.constant 46 : i32
          %swap3A_391 = arith.index_cast %swap3A_390 : i32 to index
          %swap3A_392 = arith.index_cast %mul3A_276 : i32 to index
          %swap3A_393 = tpu.vector_load %arg9[%swap3A_391, %swap3A_392] {strides = array<i32>} : memref<59x1024xf32, #tpu.memory_space<vmem>>, vector<1x16xf32>,
          %swap3A_394 = vector.shape_cast %swap3A_393 : vector<1x16xf32> to vector<16xf32>
          %swap3A_395 = vector.shape_cast %get3A_389 : vector<16xf32> to vector<1x16xf32>
          tpu.vector_store %arg9[%swap3A_391, %swap3A_392], %swap3A_395 {strides = array<i32>} : memref<59x1024xf32, #tpu.memory_space<vmem>>, vector<1x16xf32>,
          %get3A_396 = arith.constant 11 : i32
          %get3A_397 = arith.index_cast %get3A_396 : i32 to index
          %get3A_398 = arith.index_cast %mul3A_276 : i32 to index
          %get3A_399 = tpu.vector_load %arg14[%get3A_397, %get3A_398] {strides = array<i32>} : memref<15x1024xf32, #tpu.memory_space<vmem>>, vector<1x16xf32>,
          %get3A_400 = vector.shape_cast %get3A_399 : vector<1x16xf32> to vector<16xf32>
          %swap3A_401 = arith.constant 49 : i32
          %swap3A_402 = arith.index_cast %swap3A_401 : i32 to index
          %swap3A_403 = arith.index_cast %mul3A_276 : i32 to index
          %swap3A_404 = tpu.vector_load %arg9[%swap3A_402, %swap3A_403] {strides = array<i32>} : memref<59x1024xf32, #tpu.memory_space<vmem>>, vector<1x16xf32>,
          %swap3A_405 = vector.shape_cast %swap3A_404 : vector<1x16xf32> to vector<16xf32>
          %swap3A_406 = vector.shape_cast %get3A_400 : vector<16xf32> to vector<1x16xf32>
          tpu.vector_store %arg9[%swap3A_402, %swap3A_403], %swap3A_406 {strides = array<i32>} : memref<59x1024xf32, #tpu.memory_space<vmem>>, vector<1x16xf32>,
          %get3A_407 = arith.constant 12 : i32
          %get3A_408 = arith.index_cast %get3A_407 : i32 to index
          %get3A_409 = arith.index_cast %mul3A_276 : i32 to index
          %get3A_410 = tpu.vector_load %arg14[%get3A_408, %get3A_409] {strides = array<i32>} : memref<15x1024xf32, #tpu.memory_space<vmem>>, vector<1x16xf32>,
          %get3A_411 = vector.shape_cast %get3A_410 : vector<1x16xf32> to vector<16xf32>
          %swap3A_412 = arith.constant 52 : i32
          %swap3A_413 = arith.index_cast %swap3A_412 : i32 to index
          %swap3A_414 = arith.index_cast %mul3A_276 : i32 to index
          %swap3A_415 = tpu.vector_load %arg9[%swap3A_413, %swap3A_414] {strides = array<i32>} : memref<59x1024xf32, #tpu.memory_space<vmem>>, vector<1x16xf32>,
          %swap3A_416 = vector.shape_cast %swap3A_415 : vector<1x16xf32> to vector<16xf32>
          %swap3A_417 = vector.shape_cast %get3A_411 : vector<16xf32> to vector<1x16xf32>
          tpu.vector_store %arg9[%swap3A_413, %swap3A_414], %swap3A_417 {strides = array<i32>} : memref<59x1024xf32, #tpu.memory_space<vmem>>, vector<1x16xf32>,
          %get3A_418 = arith.constant 13 : i32
          %get3A_419 = arith.index_cast %get3A_418 : i32 to index
          %get3A_420 = arith.index_cast %mul3A_276 : i32 to index
          %get3A_421 = tpu.vector_load %arg14[%get3A_419, %get3A_420] {strides = array<i32>} : memref<15x1024xf32, #tpu.memory_space<vmem>>, vector<1x16xf32>,
          %get3A_422 = vector.shape_cast %get3A_421 : vector<1x16xf32> to vector<16xf32>
          %swap3A_423 = arith.constant 55 : i32
          %swap3A_424 = arith.index_cast %swap3A_423 : i32 to index
          %swap3A_425 = arith.index_cast %mul3A_276 : i32 to index
          %swap3A_426 = tpu.vector_load %arg9[%swap3A_424, %swap3A_425] {strides = array<i32>} : memref<59x1024xf32, #tpu.memory_space<vmem>>, vector<1x16xf32>,
          %swap3A_427 = vector.shape_cast %swap3A_426 : vector<1x16xf32> to vector<16xf32>
          %swap3A_428 = vector.shape_cast %get3A_422 : vector<16xf32> to vector<1x16xf32>
          tpu.vector_store %arg9[%swap3A_424, %swap3A_425], %swap3A_428 {strides = array<i32>} : memref<59x1024xf32, #tpu.memory_space<vmem>>, vector<1x16xf32>,
          %get3A_429 = arith.constant 14 : i32
          %get3A_430 = arith.index_cast %get3A_429 : i32 to index
          %get3A_431 = arith.index_cast %mul3A_276 : i32 to index
          %get3A_432 = tpu.vector_load %arg14[%get3A_430, %get3A_431] {strides = array<i32>} : memref<15x1024xf32, #tpu.memory_space<vmem>>, vector<1x16xf32>,
          %get3A_433 = vector.shape_cast %get3A_432 : vector<1x16xf32> to vector<16xf32>
          %swap3A_434 = arith.constant 58 : i32
          %swap3A_435 = arith.index_cast %swap3A_434 : i32 to index
          %swap3A_436 = arith.index_cast %mul3A_276 : i32 to index
          %swap3A_437 = tpu.vector_load %arg9[%swap3A_435, %swap3A_436] {strides = array<i32>} : memref<59x1024xf32, #tpu.memory_space<vmem>>, vector<1x16xf32>,
          %swap3A_438 = vector.shape_cast %swap3A_437 : vector<1x16xf32> to vector<16xf32>
          %swap3A_439 = vector.shape_cast %get3A_433 : vector<16xf32> to vector<1x16xf32>
          tpu.vector_store %arg9[%swap3A_435, %swap3A_436], %swap3A_439 {strides = array<i32>} : memref<59x1024xf32, #tpu.memory_space<vmem>>, vector<1x16xf32>,
        }
        %scan3A_253 = arith.constant 64 : i32
        %dma_start3A_254 = arith.constant 0 : i32
        %dma_start3A_255 = arith.constant 0 : i32
        %dma_start3A_256 = tpu.memref_slice %arg9[%dma_start3A_254, %dma_start3A_255] : memref<59x1024xf32, #tpu.memory_space<vmem>> -> memref<59x1024xf32, #tpu.memory_space<vmem>>
        %dma_start3A_257 = arith.constant 0 : i32
        %dma_start3A_258 = tpu.memref_slice %arg8[%dma_start3A_257, %mul3A_13] : memref<59x1000000xf32, #tpu.memory_space<hbm>> -> memref<59x1024xf32, #tpu.memory_space<hbm>>
        %dma_start3A_259 = arith.constant 0 : i32
        %dma_start3A_260 = tpu.memref_slice %arg8[%dma_start3A_259, %mul3A_13] : memref<59x1000000xf32, #tpu.memory_space<hbm>> -> memref<59x1024xf32, #tpu.memory_space<hbm>>
        %dma_start3A_261 = arith.constant 0 : i32
        %dma_start3A_262 = arith.constant 0 : i32
        %dma_start3A_263 = tpu.memref_slice %arg9[%dma_start3A_261, %dma_start3A_262] : memref<59x1024xf32, #tpu.memory_space<vmem>> -> memref<59x1024xf32, #tpu.memory_space<vmem>>
        tpu.enqueue_dma source(%dma_start3A_263 : memref<59x1024xf32, #tpu.memory_space<vmem>>) target(%dma_start3A_260 : memref<59x1024xf32, #tpu.memory_space<hbm>>) target_semaphore(%arg18 : memref<!tpu.dma_semaphore, #tpu.memory_space<semaphore_mem>>)
        %dma_wait3A_264 = arith.constant 0 : i32
        %dma_wait3A_265 = arith.constant 0 : i32
        %dma_wait3A_266 = tpu.memref_slice %arg9[%dma_wait3A_264, %dma_wait3A_265] : memref<59x1024xf32, #tpu.memory_space<vmem>> -> memref<59x1024xf32, #tpu.memory_space<vmem>>
        %dma_wait3A_267 = arith.constant 0 : i32
        %dma_wait3A_268 = tpu.memref_slice %arg8[%dma_wait3A_267, %mul3A_13] : memref<59x1000000xf32, #tpu.memory_space<hbm>> -> memref<59x1024xf32, #tpu.memory_space<hbm>>
        %dma_wait3A_269 = arith.constant 0 : i32
        %dma_wait3A_270 = tpu.memref_slice %arg8[%dma_wait3A_269, %mul3A_13] : memref<59x1000000xf32, #tpu.memory_space<hbm>> -> memref<59x1024xf32, #tpu.memory_space<hbm>>
        %dma_wait3A_271 = arith.constant 0 : i32
        %dma_wait3A_272 = arith.constant 0 : i32
        %dma_wait3A_273 = tpu.memref_slice %arg9[%dma_wait3A_271, %dma_wait3A_272] : memref<59x1024xf32, #tpu.memory_space<vmem>> -> memref<59x1024xf32, #tpu.memory_space<vmem>>
        tpu.wait_dma2 semaphore(%arg18 : memref<!tpu.dma_semaphore, #tpu.memory_space<semaphore_mem>>) src(%dma_wait3A_273 : memref<59x1024xf32, #tpu.memory_space<vmem>>) dst(%dma_wait3A_270 : memref<59x1024xf32, #tpu.memory_space<hbm>>)
      } else {
      }
    }
    %scan3A_5 = arith.constant 31 : i32
    return
  }
}

module attributes {stable_mosaic.version = 14 : i64} {
  func.func @_tc_tail_body(%arg0: i32, %arg1: memref<3x1024xf32, #tpu.memory_space<vmem>>, %arg2: memref<3x1024xf32, #tpu.memory_space<vmem>>, %arg3: memref<4x1024xf32, #tpu.memory_space<vmem>>, %arg4: memref<1x1024xf32, #tpu.memory_space<vmem>>, %arg5: memref<3x1x1024xf32, #tpu.memory_space<vmem>>, %arg6: memref<3x15x1024xf32, #tpu.memory_space<vmem>>, %arg7: memref<59x1000000xf32, #tpu.memory_space<any>>, %arg8: memref<59x1024xf32, #tpu.memory_space<vmem>>) attributes {dimension_semantics = [#tpu.dimension_semantics<arbitrary>], iteration_bounds = array<i64: 1>, scalar_prefetch = 0 : i64, scratch_operands = 0 : i64, tpu.core_type = #tpu.core_type<tc>, window_params = [{transform_indices = @transform_0, window_bounds = array<i64: 3, 1024>}, {transform_indices = @transform_1, window_bounds = array<i64: 3, 1024>}, {transform_indices = @transform_2, window_bounds = array<i64: 4, 1024>}, {transform_indices = @transform_3, window_bounds = array<i64: 1, 1024>}, {transform_indices = @transform_4, window_bounds = array<i64: 3, 1, 1024>}, {transform_indices = @transform_5, window_bounds = array<i64: 3, 15, 1024>}, {}, {transform_indices = @transform_7, window_bounds = array<i64: 59, 1024>}]} {
    %get3A = arith.constant 0 : index
    %get3A_0 = arith.constant 0 : index
    %get3A_1 = vector.load %arg1[%get3A, %get3A_0] : memref<3x1024xf32, #tpu.memory_space<vmem>>, vector<3x1024xf32>
    %swap3A = arith.constant 0 : index
    %swap3A_2 = arith.constant 0 : index
    %swap3A_3 = vector.load %arg8[%swap3A, %swap3A_2] : memref<59x1024xf32, #tpu.memory_space<vmem>>, vector<3x1024xf32>
    tpu.vector_store %arg8[%swap3A, %swap3A_2], %get3A_1 {strides = array<i32>} : memref<59x1024xf32, #tpu.memory_space<vmem>>, vector<3x1024xf32>,
    %get3A_4 = arith.constant 0 : index
    %get3A_5 = arith.constant 0 : index
    %get3A_6 = vector.load %arg2[%get3A_4, %get3A_5] : memref<3x1024xf32, #tpu.memory_space<vmem>>, vector<3x1024xf32>
    %exp3A = math.exp %get3A_6 : vector<3x1024xf32>
    %swap3A_7 = arith.constant 3 : index
    %swap3A_8 = arith.constant 0 : index
    %swap3A_9 = vector.load %arg8[%swap3A_7, %swap3A_8] : memref<59x1024xf32, #tpu.memory_space<vmem>>, vector<3x1024xf32>
    tpu.vector_store %arg8[%swap3A_7, %swap3A_8], %exp3A {strides = array<i32>} : memref<59x1024xf32, #tpu.memory_space<vmem>>, vector<3x1024xf32>,
    %get3A_10 = arith.constant 0 : index
    %get3A_11 = arith.constant 0 : index
    %get3A_12 = vector.load %arg3[%get3A_10, %get3A_11] : memref<4x1024xf32, #tpu.memory_space<vmem>>, vector<4x1024xf32>
    %mul3A = arith.mulf %get3A_12, %get3A_12 : vector<4x1024xf32>
    %reduce_sum3A = arith.constant dense<0.000000e+00> : vector<1024xf32>
    %reduce_sum3A_13 = vector.multi_reduction <add>, %mul3A, %reduce_sum3A [0] : vector<4x1024xf32> to vector<1024xf32>
    %broadcast_in_dim3A = vector.shape_cast %reduce_sum3A_13 : vector<1024xf32> to vector<1x1024xf32>
    %sqrt3A = math.sqrt %broadcast_in_dim3A : vector<1x1024xf32>
    %max3A = arith.constant 9.99999996E-13 : f32
    %max3A_14 = vector.broadcast %max3A : f32 to vector<1x1024xf32>
    %max3A_15 = arith.maximumf %sqrt3A, %max3A_14 : vector<1x1024xf32>
    %div3A = vector.broadcast %max3A_15 : vector<1x1024xf32> to vector<4x1024xf32>
    %div3A_16 = arith.divf %get3A_12, %div3A : vector<4x1024xf32>
    %swap3A_17 = arith.constant 6 : index
    %swap3A_18 = arith.constant 0 : index
    %swap3A_19 = vector.load %arg8[%swap3A_17, %swap3A_18] : memref<59x1024xf32, #tpu.memory_space<vmem>>, vector<4x1024xf32>
    tpu.vector_store %arg8[%swap3A_17, %swap3A_18], %div3A_16 {strides = array<i32>} : memref<59x1024xf32, #tpu.memory_space<vmem>>, vector<4x1024xf32>,
    %get3A_20 = arith.constant 0 : index
    %get3A_21 = arith.constant 0 : index
    %get3A_22 = vector.load %arg4[%get3A_20, %get3A_21] : memref<1x1024xf32, #tpu.memory_space<vmem>>, vector<1x1024xf32>
    %neg3A = arith.constant 0.000000e+00 : f32
    %neg3A_23 = vector.broadcast %neg3A : f32 to vector<1x1024xf32>
    %neg3A_24 = arith.subf %neg3A_23, %get3A_22 : vector<1x1024xf32>
    %exp3A_25 = math.exp %neg3A_24 : vector<1x1024xf32>
    %add3A = arith.constant 1.000000e+00 : f32
    %add3A_26 = vector.broadcast %add3A : f32 to vector<1x1024xf32>
    %add3A_27 = arith.addf %add3A_26, %exp3A_25 : vector<1x1024xf32>
    %div3A_28 = arith.constant 1.000000e+00 : f32
    %div3A_29 = vector.broadcast %div3A_28 : f32 to vector<1x1024xf32>
    %div3A_30 = arith.divf %div3A_29, %add3A_27 : vector<1x1024xf32>
    %swap3A_31 = arith.constant 10 : index
    %swap3A_32 = arith.constant 0 : index
    %swap3A_33 = vector.load %arg8[%swap3A_31, %swap3A_32] : memref<59x1024xf32, #tpu.memory_space<vmem>>, vector<1x1024xf32>
    tpu.vector_store %arg8[%swap3A_31, %swap3A_32], %div3A_30 {strides = array<i32>} : memref<59x1024xf32, #tpu.memory_space<vmem>>, vector<1x1024xf32>,
    %get3A_34 = arith.constant 0 : index
    %get3A_35 = arith.constant 0 : index
    %get3A_36 = arith.constant 0 : index
    %get3A_37 = vector.load %arg5[%get3A_34, %get3A_35, %get3A_36] : memref<3x1x1024xf32, #tpu.memory_space<vmem>>, vector<3x1x1024xf32>
    %get3A_38 = vector.shape_cast %get3A_37 : vector<3x1x1024xf32> to vector<3x1024xf32>
    %swap3A_39 = arith.constant 11 : index
    %swap3A_40 = arith.constant 0 : index
    %swap3A_41 = vector.load %arg8[%swap3A_39, %swap3A_40] : memref<59x1024xf32, #tpu.memory_space<vmem>>, vector<3x1024xf32>
    tpu.vector_store %arg8[%swap3A_39, %swap3A_40], %get3A_38 {strides = array<i32>} : memref<59x1024xf32, #tpu.memory_space<vmem>>, vector<3x1024xf32>,
    %get3A_42 = arith.constant 0 : index
    %get3A_43 = arith.constant 0 : index
    %get3A_44 = arith.constant 0 : index
    %get3A_45 = vector.load %arg6[%get3A_42, %get3A_43, %get3A_44] : memref<3x15x1024xf32, #tpu.memory_space<vmem>>, vector<3x1x1024xf32>
    %get3A_46 = vector.shape_cast %get3A_45 : vector<3x1x1024xf32> to vector<3x1024xf32>
    %swap3A_47 = arith.constant 14 : index
    %swap3A_48 = arith.constant 0 : index
    %swap3A_49 = vector.load %arg8[%swap3A_47, %swap3A_48] : memref<59x1024xf32, #tpu.memory_space<vmem>>, vector<3x1024xf32>
    tpu.vector_store %arg8[%swap3A_47, %swap3A_48], %get3A_46 {strides = array<i32>} : memref<59x1024xf32, #tpu.memory_space<vmem>>, vector<3x1024xf32>,
    %get3A_50 = arith.constant 0 : index
    %get3A_51 = arith.constant 1 : index
    %get3A_52 = arith.constant 0 : index
    %get3A_53 = vector.load %arg6[%get3A_50, %get3A_51, %get3A_52] : memref<3x15x1024xf32, #tpu.memory_space<vmem>>, vector<3x1x1024xf32>
    %get3A_54 = vector.shape_cast %get3A_53 : vector<3x1x1024xf32> to vector<3x1024xf32>
    %swap3A_55 = arith.constant 17 : index
    %swap3A_56 = arith.constant 0 : index
    %swap3A_57 = vector.load %arg8[%swap3A_55, %swap3A_56] : memref<59x1024xf32, #tpu.memory_space<vmem>>, vector<3x1024xf32>
    tpu.vector_store %arg8[%swap3A_55, %swap3A_56], %get3A_54 {strides = array<i32>} : memref<59x1024xf32, #tpu.memory_space<vmem>>, vector<3x1024xf32>,
    %get3A_58 = arith.constant 0 : index
    %get3A_59 = arith.constant 2 : index
    %get3A_60 = arith.constant 0 : index
    %get3A_61 = vector.load %arg6[%get3A_58, %get3A_59, %get3A_60] : memref<3x15x1024xf32, #tpu.memory_space<vmem>>, vector<3x1x1024xf32>
    %get3A_62 = vector.shape_cast %get3A_61 : vector<3x1x1024xf32> to vector<3x1024xf32>
    %swap3A_63 = arith.constant 20 : index
    %swap3A_64 = arith.constant 0 : index
    %swap3A_65 = vector.load %arg8[%swap3A_63, %swap3A_64] : memref<59x1024xf32, #tpu.memory_space<vmem>>, vector<3x1024xf32>
    tpu.vector_store %arg8[%swap3A_63, %swap3A_64], %get3A_62 {strides = array<i32>} : memref<59x1024xf32, #tpu.memory_space<vmem>>, vector<3x1024xf32>,
    %get3A_66 = arith.constant 0 : index
    %get3A_67 = arith.constant 3 : index
    %get3A_68 = arith.constant 0 : index
    %get3A_69 = vector.load %arg6[%get3A_66, %get3A_67, %get3A_68] : memref<3x15x1024xf32, #tpu.memory_space<vmem>>, vector<3x1x1024xf32>
    %get3A_70 = vector.shape_cast %get3A_69 : vector<3x1x1024xf32> to vector<3x1024xf32>
    %swap3A_71 = arith.constant 23 : index
    %swap3A_72 = arith.constant 0 : index
    %swap3A_73 = vector.load %arg8[%swap3A_71, %swap3A_72] : memref<59x1024xf32, #tpu.memory_space<vmem>>, vector<3x1024xf32>
    tpu.vector_store %arg8[%swap3A_71, %swap3A_72], %get3A_70 {strides = array<i32>} : memref<59x1024xf32, #tpu.memory_space<vmem>>, vector<3x1024xf32>,
    %get3A_74 = arith.constant 0 : index
    %get3A_75 = arith.constant 4 : index
    %get3A_76 = arith.constant 0 : index
    %get3A_77 = vector.load %arg6[%get3A_74, %get3A_75, %get3A_76] : memref<3x15x1024xf32, #tpu.memory_space<vmem>>, vector<3x1x1024xf32>
    %get3A_78 = vector.shape_cast %get3A_77 : vector<3x1x1024xf32> to vector<3x1024xf32>
    %swap3A_79 = arith.constant 26 : index
    %swap3A_80 = arith.constant 0 : index
    %swap3A_81 = vector.load %arg8[%swap3A_79, %swap3A_80] : memref<59x1024xf32, #tpu.memory_space<vmem>>, vector<3x1024xf32>
    tpu.vector_store %arg8[%swap3A_79, %swap3A_80], %get3A_78 {strides = array<i32>} : memref<59x1024xf32, #tpu.memory_space<vmem>>, vector<3x1024xf32>,
    %get3A_82 = arith.constant 0 : index
    %get3A_83 = arith.constant 5 : index
    %get3A_84 = arith.constant 0 : index
    %get3A_85 = vector.load %arg6[%get3A_82, %get3A_83, %get3A_84] : memref<3x15x1024xf32, #tpu.memory_space<vmem>>, vector<3x1x1024xf32>
    %get3A_86 = vector.shape_cast %get3A_85 : vector<3x1x1024xf32> to vector<3x1024xf32>
    %swap3A_87 = arith.constant 29 : index
    %swap3A_88 = arith.constant 0 : index
    %swap3A_89 = vector.load %arg8[%swap3A_87, %swap3A_88] : memref<59x1024xf32, #tpu.memory_space<vmem>>, vector<3x1024xf32>
    tpu.vector_store %arg8[%swap3A_87, %swap3A_88], %get3A_86 {strides = array<i32>} : memref<59x1024xf32, #tpu.memory_space<vmem>>, vector<3x1024xf32>,
    %get3A_90 = arith.constant 0 : index
    %get3A_91 = arith.constant 6 : index
    %get3A_92 = arith.constant 0 : index
    %get3A_93 = vector.load %arg6[%get3A_90, %get3A_91, %get3A_92] : memref<3x15x1024xf32, #tpu.memory_space<vmem>>, vector<3x1x1024xf32>
    %get3A_94 = vector.shape_cast %get3A_93 : vector<3x1x1024xf32> to vector<3x1024xf32>
    %swap3A_95 = arith.constant 32 : index
    %swap3A_96 = arith.constant 0 : index
    %swap3A_97 = vector.load %arg8[%swap3A_95, %swap3A_96] : memref<59x1024xf32, #tpu.memory_space<vmem>>, vector<3x1024xf32>
    tpu.vector_store %arg8[%swap3A_95, %swap3A_96], %get3A_94 {strides = array<i32>} : memref<59x1024xf32, #tpu.memory_space<vmem>>, vector<3x1024xf32>,
    %get3A_98 = arith.constant 0 : index
    %get3A_99 = arith.constant 7 : index
    %get3A_100 = arith.constant 0 : index
    %get3A_101 = vector.load %arg6[%get3A_98, %get3A_99, %get3A_100] : memref<3x15x1024xf32, #tpu.memory_space<vmem>>, vector<3x1x1024xf32>
    %get3A_102 = vector.shape_cast %get3A_101 : vector<3x1x1024xf32> to vector<3x1024xf32>
    %swap3A_103 = arith.constant 35 : index
    %swap3A_104 = arith.constant 0 : index
    %swap3A_105 = vector.load %arg8[%swap3A_103, %swap3A_104] : memref<59x1024xf32, #tpu.memory_space<vmem>>, vector<3x1024xf32>
    tpu.vector_store %arg8[%swap3A_103, %swap3A_104], %get3A_102 {strides = array<i32>} : memref<59x1024xf32, #tpu.memory_space<vmem>>, vector<3x1024xf32>,
    %get3A_106 = arith.constant 0 : index
    %get3A_107 = arith.constant 8 : index
    %get3A_108 = arith.constant 0 : index
    %get3A_109 = vector.load %arg6[%get3A_106, %get3A_107, %get3A_108] : memref<3x15x1024xf32, #tpu.memory_space<vmem>>, vector<3x1x1024xf32>
    %get3A_110 = vector.shape_cast %get3A_109 : vector<3x1x1024xf32> to vector<3x1024xf32>
    %swap3A_111 = arith.constant 38 : index
    %swap3A_112 = arith.constant 0 : index
    %swap3A_113 = vector.load %arg8[%swap3A_111, %swap3A_112] : memref<59x1024xf32, #tpu.memory_space<vmem>>, vector<3x1024xf32>
    tpu.vector_store %arg8[%swap3A_111, %swap3A_112], %get3A_110 {strides = array<i32>} : memref<59x1024xf32, #tpu.memory_space<vmem>>, vector<3x1024xf32>,
    %get3A_114 = arith.constant 0 : index
    %get3A_115 = arith.constant 9 : index
    %get3A_116 = arith.constant 0 : index
    %get3A_117 = vector.load %arg6[%get3A_114, %get3A_115, %get3A_116] : memref<3x15x1024xf32, #tpu.memory_space<vmem>>, vector<3x1x1024xf32>
    %get3A_118 = vector.shape_cast %get3A_117 : vector<3x1x1024xf32> to vector<3x1024xf32>
    %swap3A_119 = arith.constant 41 : index
    %swap3A_120 = arith.constant 0 : index
    %swap3A_121 = vector.load %arg8[%swap3A_119, %swap3A_120] : memref<59x1024xf32, #tpu.memory_space<vmem>>, vector<3x1024xf32>
    tpu.vector_store %arg8[%swap3A_119, %swap3A_120], %get3A_118 {strides = array<i32>} : memref<59x1024xf32, #tpu.memory_space<vmem>>, vector<3x1024xf32>,
    %get3A_122 = arith.constant 0 : index
    %get3A_123 = arith.constant 10 : index
    %get3A_124 = arith.constant 0 : index
    %get3A_125 = vector.load %arg6[%get3A_122, %get3A_123, %get3A_124] : memref<3x15x1024xf32, #tpu.memory_space<vmem>>, vector<3x1x1024xf32>
    %get3A_126 = vector.shape_cast %get3A_125 : vector<3x1x1024xf32> to vector<3x1024xf32>
    %swap3A_127 = arith.constant 44 : index
    %swap3A_128 = arith.constant 0 : index
    %swap3A_129 = vector.load %arg8[%swap3A_127, %swap3A_128] : memref<59x1024xf32, #tpu.memory_space<vmem>>, vector<3x1024xf32>
    tpu.vector_store %arg8[%swap3A_127, %swap3A_128], %get3A_126 {strides = array<i32>} : memref<59x1024xf32, #tpu.memory_space<vmem>>, vector<3x1024xf32>,
    %get3A_130 = arith.constant 0 : index
    %get3A_131 = arith.constant 11 : index
    %get3A_132 = arith.constant 0 : index
    %get3A_133 = vector.load %arg6[%get3A_130, %get3A_131, %get3A_132] : memref<3x15x1024xf32, #tpu.memory_space<vmem>>, vector<3x1x1024xf32>
    %get3A_134 = vector.shape_cast %get3A_133 : vector<3x1x1024xf32> to vector<3x1024xf32>
    %swap3A_135 = arith.constant 47 : index
    %swap3A_136 = arith.constant 0 : index
    %swap3A_137 = vector.load %arg8[%swap3A_135, %swap3A_136] : memref<59x1024xf32, #tpu.memory_space<vmem>>, vector<3x1024xf32>
    tpu.vector_store %arg8[%swap3A_135, %swap3A_136], %get3A_134 {strides = array<i32>} : memref<59x1024xf32, #tpu.memory_space<vmem>>, vector<3x1024xf32>,
    %get3A_138 = arith.constant 0 : index
    %get3A_139 = arith.constant 12 : index
    %get3A_140 = arith.constant 0 : index
    %get3A_141 = vector.load %arg6[%get3A_138, %get3A_139, %get3A_140] : memref<3x15x1024xf32, #tpu.memory_space<vmem>>, vector<3x1x1024xf32>
    %get3A_142 = vector.shape_cast %get3A_141 : vector<3x1x1024xf32> to vector<3x1024xf32>
    %swap3A_143 = arith.constant 50 : index
    %swap3A_144 = arith.constant 0 : index
    %swap3A_145 = vector.load %arg8[%swap3A_143, %swap3A_144] : memref<59x1024xf32, #tpu.memory_space<vmem>>, vector<3x1024xf32>
    tpu.vector_store %arg8[%swap3A_143, %swap3A_144], %get3A_142 {strides = array<i32>} : memref<59x1024xf32, #tpu.memory_space<vmem>>, vector<3x1024xf32>,
    %get3A_146 = arith.constant 0 : index
    %get3A_147 = arith.constant 13 : index
    %get3A_148 = arith.constant 0 : index
    %get3A_149 = vector.load %arg6[%get3A_146, %get3A_147, %get3A_148] : memref<3x15x1024xf32, #tpu.memory_space<vmem>>, vector<3x1x1024xf32>
    %get3A_150 = vector.shape_cast %get3A_149 : vector<3x1x1024xf32> to vector<3x1024xf32>
    %swap3A_151 = arith.constant 53 : index
    %swap3A_152 = arith.constant 0 : index
    %swap3A_153 = vector.load %arg8[%swap3A_151, %swap3A_152] : memref<59x1024xf32, #tpu.memory_space<vmem>>, vector<3x1024xf32>
    tpu.vector_store %arg8[%swap3A_151, %swap3A_152], %get3A_150 {strides = array<i32>} : memref<59x1024xf32, #tpu.memory_space<vmem>>, vector<3x1024xf32>,
    %get3A_154 = arith.constant 0 : index
    %get3A_155 = arith.constant 14 : index
    %get3A_156 = arith.constant 0 : index
    %get3A_157 = vector.load %arg6[%get3A_154, %get3A_155, %get3A_156] : memref<3x15x1024xf32, #tpu.memory_space<vmem>>, vector<3x1x1024xf32>
    %get3A_158 = vector.shape_cast %get3A_157 : vector<3x1x1024xf32> to vector<3x1024xf32>
    %swap3A_159 = arith.constant 56 : index
    %swap3A_160 = arith.constant 0 : index
    %swap3A_161 = vector.load %arg8[%swap3A_159, %swap3A_160] : memref<59x1024xf32, #tpu.memory_space<vmem>>, vector<3x1024xf32>
    tpu.vector_store %arg8[%swap3A_159, %swap3A_160], %get3A_158 {strides = array<i32>} : memref<59x1024xf32, #tpu.memory_space<vmem>>, vector<3x1024xf32>,
    return
  }
  func.func @transform_0(%arg0: i32) -> (i32, i32) {
    %c0_i32 = arith.constant 0 : i32
    %c976_i32 = arith.constant 976 : i32
    %c0_i32_0 = arith.constant 0 : i32
    return %c0_i32, %c976_i32 : i32, i32
  }
  func.func @transform_1(%arg0: i32) -> (i32, i32) {
    %c0_i32 = arith.constant 0 : i32
    %c976_i32 = arith.constant 976 : i32
    %c0_i32_0 = arith.constant 0 : i32
    return %c0_i32, %c976_i32 : i32, i32
  }
  func.func @transform_2(%arg0: i32) -> (i32, i32) {
    %c0_i32 = arith.constant 0 : i32
    %c976_i32 = arith.constant 976 : i32
    %c0_i32_0 = arith.constant 0 : i32
    return %c0_i32, %c976_i32 : i32, i32
  }
  func.func @transform_3(%arg0: i32) -> (i32, i32) {
    %c0_i32 = arith.constant 0 : i32
    %c976_i32 = arith.constant 976 : i32
    %c0_i32_0 = arith.constant 0 : i32
    return %c0_i32, %c976_i32 : i32, i32
  }
  func.func @transform_4(%arg0: i32) -> (i32, i32, i32) {
    %c0_i32 = arith.constant 0 : i32
    %c0_i32_0 = arith.constant 0 : i32
    %c976_i32 = arith.constant 976 : i32
    %c0_i32_1 = arith.constant 0 : i32
    return %c0_i32, %c0_i32_0, %c976_i32 : i32, i32, i32
  }
  func.func @transform_5(%arg0: i32) -> (i32, i32, i32) {
    %c0_i32 = arith.constant 0 : i32
    %c0_i32_0 = arith.constant 0 : i32
    %c976_i32 = arith.constant 976 : i32
    %c0_i32_1 = arith.constant 0 : i32
    return %c0_i32, %c0_i32_0, %c976_i32 : i32, i32, i32
  }
  func.func @transform_7(%arg0: i32) -> (i32, i32) {
    %c0_i32 = arith.constant 0 : i32
    %c976_i32 = arith.constant 976 : i32
    %c0_i32_0 = arith.constant 0 : i32
    return %c0_i32, %c976_i32 : i32, i32
  }
}

</mosaic_0001>

<sc_bundles>
// kernel: kernel.4.cloned.1.call-start
scs
__scs_entry_jumppad:
0x0: {  	(pc) =	sbr.rel $0x88, $3  }
0x1: {  	(tag) =	ssettag $0x0;
	lr =	simm.s32 $0x1  }
0x2: {  	[smem:$0x3F9B] =	sst lr;
	_ =	strace $0xD0000000  }
0x3: {  	_ = 	snop  }
0x4: {  	_ = 	snop  }
0x5: {  	_ = 	snop  }
0x6: {  	_ = 	snop  }
0x7: {  	_ = 	snop  }
__scs_overlays_trampoline_lowered:
0x8: {  	[smem:$0x3FAA] =	sst s0  }
0x9: {  	[smem:$0x3FAB] =	sst s1  }
0xa: {  	[smem:$0x3FAC] =	sst s2  }
0xb: {  	[smem:$0x3FAD] =	sst s3  }
0xc: {  	[smem:$0x3FAE] =	sst s4  }
0xd: {  	[smem:$0x3FAF] =	sst s5  }
0xe: {  	[smem:$0x3FB0] =	sst s6  }
0xf: {  	[smem:$0x3FB1] =	sst s7  }
0x10: {  	[smem:$0x3FB2] =	sst s8  }
0x11: {  	[smem:$0x3FB3] =	sst s9;
	s0 =	simm.s32 @!p0 $0x0  }
0x12: {  	s1 =	sld [smem:$0x3F99];
	s0 =	simm.s32 @p0 $0x1  }
0x13: {  	[smem:$0x3FB4] =	sst s0;
	s0 =	simm.s32 @!p1 $0x0  }
0x14: {  	s2 =	sld [smem:$0x3F98];
	s0 =	simm.s32 @p1 $0x1  }
0x15: {  	[smem:$0x3FB5] =	sst s0;
	s0 =	simm.s32 @!p2 $0x0  }
0x16: {  	s3 =	sld [smem:$0x3FDB];
	s0 =	simm.s32 @p2 $0x1  }
0x17: {  	s4 =	simm.s32 $0x1BF5;
	[smem:$0x3FB7] =	sst s0  }
0x18: {  	s0 =	sld [smem:$0x3F9A];
	_ =	swait.ge [sflag:s4], $0x0  }
0x19: {  	s7 =	sld [smem:$0x3F9B]  }
0x1a: {  	s8 =	sadd.s32 $0xFFFFE003, lr  }
0x1b: {  	s9 =	sadd.s32 $0xFFFFFEF7, lr;
	s5 =	simm.s32 $0xFFFFFFFF;
	p2 =	slt.u32 s8, $0xFFFFF086  }
0x1c: {  	p1 =	slt.u32 s9, $0xF7A;
	s5 =	simm.s32 @!p2 $0x0  }
0x1d: {  	s5 =	simm.s32 @p1 $0x1;
	p0 =	seq.s32 s7, s2  }
0x1e: {  	s7 =	smul.u32 @!p0 $0xF7A, s2;
	p2 =	seq.s32 @!p0 s5, $0x0  }
0x1f: {  	s9 =	smul.u32 $0xF7A, s1;
	s8 =	simm.s32 @!p0 $0x1BF5;
	p2 =	por !p2, p0  }
0x20: {  	[sflag:s8] =	ssyncset.s32 @!p0 $0xFFFFF086;
	s6 =	sadd.s32 @!p0 s3, s7;
	s7 =	simm.s32 @!p0 $0x108  }
0x21: {  	s3 =	sadd.s32 s3, s9;
	s6 =	sadd.s32 @!p0 $0x88, s6;
	s7 =	simm.s32 @p2 $0x1082  }
0x22: {  	[simem:s7], [sflag:s8] =	dma.local @!p0 [hbm:s6], $0xF7A  }
0x23: {  	s9 =	sor.u32 $0xD0000000, s2;
	s6 =	simm.s32 $0x108;
	_ =	swait.ge @!p0 [sflag:s8], $0x0  }
0x24: {  	s3 =	sadd.s32 $0x88, s3;
	s6 =	simm.s32 @!p1 $0x1082;
	[sflag:s4] =	ssyncset.s32 $0xFFFFF086  }
0x25: {  	[simem:s6], [sflag:s4] =	dma.local [hbm:s3], $0xF7A  }
0x26: {  	[smem:$0x3F9B] =	sst s1;
	(tag) =	ssettag s2;
	_ =	strace s9  }
0x27: {  	s1 =	sld [smem:$0x3FAB]  }
0x28: {  	s2 =	sld [smem:$0x3FAC]  }
0x29: {  	s4 =	sld [smem:$0x3FAE]  }
0x2a: {  	p0 =	seq.s32 s5, $0x0;
	s5 =	sld [smem:$0x3FAF]  }
0x2b: {  	s6 =	sld [smem:$0x3FB0]  }
0x2c: {  	s7 =	sld [smem:$0x3FB1]  }
0x2d: {  	s3 =	simm.s32 $0x108;
	s8 =	sld [smem:$0x3FB2]  }
0x2e: {  	s3 =	simm.s32 @!p0 $0x1082;
	s9 =	sld [smem:$0x3FB3]  }
0x2f: {  	lr =	sadd.s32 s0, s3;
	s0 =	sld [smem:$0x3FAA]  }
0x30: {  	s3 =	sld [smem:$0x3FAD]  }
0x31: {  	[smem:$0x3FB6] =	sst s10  }
0x32: {  	s10 =	sld [smem:$0x3FB4];
	_ =	sdelay $0x3  }
0x33: {  	p0 =	seq.s32 s10, $0x1;
	s10 =	sld [smem:$0x3FB6];
	_ =	sdelay $0x3  }
0x34: {  	[smem:$0x3FB6] =	sst s10  }
0x35: {  	s10 =	sld [smem:$0x3FB5];
	_ =	sdelay $0x3  }
0x36: {  	p1 =	seq.s32 s10, $0x1;
	s10 =	sld [smem:$0x3FB6];
	_ =	sdelay $0x3  }
0x37: {  	[smem:$0x3FB6] =	sst s10  }
0x38: {  	s10 =	sld [smem:$0x3FB7]  }
0x39: {  	_ = 	snop;
	(pc) =	sbr.ind lr, $3  }
0x3a: {  	_ = 	snop  }
0x3b: {  	_ = 	snop  }
0x3c: {  	p2 =	seq.s32 s10, $0x1;
	s10 =	sld [smem:$0x3FB6]  }
0x3d: {  	_ =	shalt  }
0x3e: {  	_ =	shalt  }
0x3f: {  	_ =	shalt  }
0x40: {  	_ =	shalt  }
0x41: {  	_ =	shalt  }
0x42: {  	_ =	shalt  }
0x43: {  	_ =	shalt  }
0x44: {  	_ =	shalt  }
0x45: {  	_ =	shalt  }
0x46: {  	_ =	shalt  }
0x47: {  	_ =	shalt  }
0x48: {  	_ =	shalt  }
0x49: {  	_ =	shalt  }
0x4a: {  	_ =	shalt  }
0x4b: {  	_ =	shalt  }
0x4c: {  	_ =	shalt  }
0x4d: {  	_ =	shalt  }
0x4e: {  	_ =	shalt  }
0x4f: {  	_ =	shalt  }
0x50: {  	_ =	shalt  }
0x51: {  	_ =	shalt  }
0x52: {  	_ =	shalt  }
0x53: {  	_ =	shalt  }
0x54: {  	_ =	shalt  }
0x55: {  	_ =	shalt  }
0x56: {  	_ =	shalt  }
0x57: {  	_ =	shalt  }
0x58: {  	_ =	shalt  }
0x59: {  	_ =	shalt  }
0x5a: {  	_ =	shalt  }
0x5b: {  	_ =	shalt  }
0x5c: {  	_ =	shalt  }
0x5d: {  	_ =	shalt  }
0x5e: {  	_ =	shalt  }
0x5f: {  	_ =	shalt  }
0x60: {  	_ =	shalt  }
0x61: {  	_ =	shalt  }
0x62: {  	_ =	shalt  }
0x63: {  	_ =	shalt  }
0x64: {  	_ =	shalt  }
0x65: {  	_ =	shalt  }
0x66: {  	_ =	shalt  }
0x67: {  	_ =	shalt  }
0x68: {  	_ =	shalt  }
0x69: {  	_ =	shalt  }
0x6a: {  	_ =	shalt  }
0x6b: {  	_ =	shalt  }
0x6c: {  	_ =	shalt  }
0x6d: {  	_ =	shalt  }
0x6e: {  	_ =	shalt  }
0x6f: {  	_ =	shalt  }
0x70: {  	_ =	shalt  }
0x71: {  	_ =	shalt  }
0x72: {  	_ =	shalt  }
0x73: {  	_ =	shalt  }
0x74: {  	_ =	shalt  }
0x75: {  	_ =	shalt  }
0x76: {  	_ =	shalt  }
0x77: {  	_ =	shalt  }
0x78: {  	_ =	shalt  }
0x79: {  	_ =	shalt  }
0x7a: {  	_ =	shalt  }
0x7b: {  	_ =	shalt  }
0x7c: {  	_ =	shalt  }
0x7d: {  	_ =	shalt  }
0x7e: {  	_ =	shalt  }
0x7f: {  	_ =	shalt  }
0x80: {  	_ =	shalt  }
0x81: {  	_ =	shalt  }
0x82: {  	_ =	shalt  }
0x83: {  	_ =	shalt  }
0x84: {  	_ =	shalt  }
0x85: {  	_ =	shalt  }
0x86: {  	_ =	shalt  }
0x87: {  	_ =	shalt  }
.Lfunc_end0:
.L_simem_size_0:
called_computation_lowered:
.L_overlay_start_0:
0x88: {  	s2 =	sld [smem:$0x3FD9]  }
0x89: {  	s3 =	sld [smem:$0x3FFE];
	_ =	sdelay $0x1  }
0x8a: {  	s1 =	srdreg.scid  }
0x8b: {  	s0 =	sand.u32 $0x1, s1  }
0x8c: {  	s18 =	sshll.u32 s0, $0xA;
	s2 =	sadd.s32 s3, s2  }
0x8d: {  	s2 =	sadd.s32 s2, s18  }
0x8e: {  	[smem:$0x3FC2] =	sst s2  }
0x8f: {  	_ = 	snop  }
0x90: {  	s2 =	sld [smem:$0x3FC9]  }
0x91: {  	s19 =	sld [smem:$0x3FC8]  }
0x92: {  	s4 =	sld [smem:$0x3FC7]  }
0x93: {  	s5 =	sld [smem:$0x3FC6]  }
0x94: {  	s6 =	sld [smem:$0x3FC5]  }
0x95: {  	s7 =	sld [smem:$0x3FC4]  }
0x96: {  	s8 =	sld [smem:$0x3FD0];
	(tm) =	ssettm $0x1  }
0x97: {  	s9 =	sld [smem:$0x3FFB];
	_ =	sdelay $0x3  }
0x98: {  	_ =	strace s9  }
0x99: {  	s9 =	sld [smem:$0x3FFC];
	_ =	sdelay $0x3  }
0x9a: {  	_ =	strace s9  }
0x9b: {  	s9 =	sld [smem:$0x3FFD];
	_ =	sdelay $0x3  }
0x9c: {  	_ =	strace s9  }
0x9d: {  	_ =	strace $0x8FFFFFFF  }
0x9e: {  	s20 =	sld [smem:$0x3FDB];
	_ =	sdelay $0x1  }
0x9f: {  	s10 =	simm.s32 $_scs_section_size  }
0xa0: {  	s11 =	simm.s32 $_size__tile_overlayer_lowered;
	s12 =	simm.s32 $_tile_overlayer_lowered  }
0xa1: {  	s23 =	simm.s32 $0x1BFF;
	s22 =	sshll.u32 s12, $0x1;
	s9 =	sadd.s32 s10, s20  }
0xa2: {  	s13 =	simm.s32 $0x0;
	s21 =	sshll.u32 s11, $0x1;
	s11 =	sadd.s32 s22, s9  }
0xa3: {  	[timem:s13], [sflag:s23] =	dma.local [hbm:s11], s21  }
0xa4: {  	_ =	swait.ge [sflag:s23], s21  }
0xa5: {  	s10 =	ssub.s32 $0x0, s21;
	[sflag:s23] =	ssyncset.done $0x0  }
0xa6: {  	[sflag:s23] =	ssyncadd.s32 s10;
	_ =	sdelay $0x1  }
0xa7: {  	s24 =	simm.s32 $0x1B8B  }
0xa8: {  	_ =	swait.ge [sflag:s24], $0x1  }
0xa9: {  	[sflag:s24] =	ssyncset.done $0x0  }
0xaa: {  	s25 =	simm.s32 $0x1B8E;
	[sflag:s24] =	ssyncadd.s32 $0xFFFFFFFF  }
0xab: {  	s26 =	simm.s32 $execute0_lowered;
	[smem:$0x3FD2] =	sst s25  }
0xac: {  	s10 =	sshll.u32 s26, $0x1;
	_ =	strace $0x80000046;
	[dreg:$0x1] =	wrdreg $0xFFFFFFFF  }
0xad: {  	s28 =	simm.s32 $_size_execute0_lowered;
	s9 =	sadd.s32 s9, s10;
	[dreg:$0x0] =	wrdreg $0x0  }
0xae: {  	s10 =	sshll.u32 s28, $0x1;
	[dreg:$0x2] =	wrdreg s9  }
0xaf: {  	[dreg:$0x3] =	wrdreg s10  }
0xb0: {  	[dreg:$0x4] =	wrdreg $0xC0  }
0xb1: {  	_ =	task [dreg:s13], $0x5FFFF  }
0xb2: {  	[dreg:$0x1] =	wrdreg $0xFFFFFFFF  }
0xb3: {  	[dreg:$0x0] =	wrdreg $0x60  }
0xb4: {  	[dreg:$0x2] =	wrdreg s2  }
0xb5: {  	[dreg:$0x3] =	wrdreg s5  }
0xb6: {  	[dreg:$0x4] =	wrdreg s6  }
0xb7: {  	[dreg:$0x5] =	wrdreg s7  }
0xb8: {  	[dreg:$0x6] =	wrdreg s19  }
0xb9: {  	[dreg:$0x7] =	wrdreg s4  }
0xba: {  	[dreg:$0x8] =	wrdreg s8  }
0xbb: {  	[dreg:$0x9] =	wrdreg $0x9  }
0xbc: {  	_ =	task.clear_ibuf [dreg:s13], $0xAFFFF;
	_ =	strace $0x90000046  }
0xbd: {  	s29 =	simm.s32 $0x9;
	_ =	strace $0x80000048  }
0xbe: {  	_ =	swait.ge [sflag:s29], $0x1  }
0xbf: {  	[sflag:s29] =	ssyncadd.s32 $0xFFFFFFFF  }
0xc0: {  	_ =	strace $0x90000048  }
0xc1: {  	_ =	sfence  }
0xc2: {  	s30 =	sld [smem:$0x0];
	_ =	sdelay $0x2  }
0xc3: {  	s31 =	sshll.u32 s1, $0xD;
	s1 =	sshrl.u32 s1, $0x2  }
0xc4: {  	s3 =	sand.u32 $0x4000, s31;
	s1 =	sadd.s32 s1, s30  }
0xc5: {  	s0 =	sor.u32 s3, s0;
	s1 =	sshll.u32 s1, $0x11  }
0xc6: {  	s0 =	sor.u32 s1, s0  }
0xc7: {  	s0 =	sadd.s32 $0x8F2B, s0  }
0xc8: {  	[sflag:s0] =	ssyncadd.remote.s32 $0x1  }
0xc9: {  	_ =	sfence.sel $0xFFFF  }
0xca: {  	[dreg:$0x0] =	wrdreg $0xFFFFFFFF;
	(pc) =	sbr.abs _section_cstart, $3  }
0xcb: {  	[dreg:$0x1] =	wrdreg $0xFFFFFFFF  }
0xcc: {  	_ =	task.clear_ibuf [dreg:s13], $0x2FFFF;
	_ =	strace $0x9FFFFFFF  }
0xcd: {  	(tm) =	ssettm $0x7FFFFFFF  }
tec
execute0_lowered:
.L_overlay_start_1:
0x0: {  	(tag) =	ssettag $0x1  }
0x1: {  	s0 =	rddreg [dreg:$0x0]  }
0x2: {  	s1 =	rddreg [dreg:$0x1]  }
0x3: {  	s2 =	rddreg [dreg:$0x2]  }
0x4: {  	s4 =	rddreg [dreg:$0x3]  }
0x5: {  	s5 =	rddreg [dreg:$0x4]  }
0x6: {  	s6 =	rddreg [dreg:$0x5];
	s3 =	srdreg.scid  }
0x7: {  	s7 =	rddreg [dreg:$0x6];
	s10 =	simm.s32 $0x0;
	s11 =	stileid.u32  }
0x8: {  	s13 =	simm.s32 $0x10000;
	s14 =	simm.s32 $0x11000;
	s8 =	sand.u32 $0x1, s3  }
.Ltmp0:
0x9: {  	s15 =	simm.s32 $0x12000;
	s3 =	ssub.s32 $0x2, s8;
	(pc) =	sbr.rel .LBB2_1-.Ltmp0, $4  }
0xa: {  	s16 =	simm.s32 $0x1;
	s17 =	simm.s32 $0x2000;
	s9 =	sshrl.u32 s3, $0x1  }
0xb: {  	s18 =	simm.s32 $0x7A1400;
	s19 =	simm.s32 $0x13400;
	s3 =	ssub.s32 s3, s9  }
0xc: {  	s20 =	simm.s32 $0x0;
	[smem:$0x7FF] =	sst s10;
	s3 =	smax.u32 s3, $0x1  }
0xd: {  	s11 =	sshll.u32 s11, $0x1;
	_ =	strace $0x80000047;
	[dreg:$0x8] =	wrdreg s3  }
.LBB2_13:
0xe: {  	s20 =	sadd.s32 $0x1, s20;
	s3 =	rddreg [dreg:$0x8]  }
0xf: {  	p0 =	sne.s32 s20, s3  }
.Ltmp1:
0x10: {  	_ = 	snop;
	(pc) =	sbr.rel @!p0 .LBB2_14-.Ltmp1, $1  }
0x11: {  	_ =	sdelay $0x3  }
.LBB2_1:
.Ltmp2:
0x12: {  	(pc) =	sbr.rel .LBB2_2-.Ltmp2, $2  }
0x13: {  	_ =	sdelay $0x2  }
0x14: {  	s21 =	simm.s32 $0x0  }
.LBB2_12:
0x15: {  	s21 =	sadd.s32 $0x1, s21  }
0x16: {  	p0 =	sne.s32 s21, $0x1F  }
.Ltmp3:
0x17: {  	_ = 	snop;
	(pc) =	sbr.rel @!p0 .LBB2_13-.Ltmp3, $1  }
0x18: {  	_ =	sdelay $0x3  }
.LBB2_2:
0x19: {  	s3 =	sshll.u32 s21, $0x5  }
0x1a: {  	s3 =	sor.u32 s11, s3  }
0x1b: {  	p0 =	sgt.u32 s3, $0x3CF  }
.Ltmp4:
0x1c: {  	_ = 	snop;
	(pc) =	sbr.rel @p0 .LBB2_12-.Ltmp4, $1  }
0x1d: {  	_ =	sdelay $0x3  }
0x1e: {  	s23 =	sor.u32 s8, s3  }
0x1f: {  	s3 =	sshll.u32 s23, $0x9  }
0x20: {  	s12 =	simm.s32 $0x0;
	s9 =	sadd.s32 s0, s3  }
0x21: {  	[tilespmem:s13], [sflag:$0x1] =	stream.linear.gather [hbm4b:s9+s12], $0x1000, $0x38;
	[tilespmem:$0x18000] =	vst v63  }
0x22: {  	s25 =	sadd.s32 s1, s3  }
0x23: {  	[tilespmem:s14], [sflag:$0x1] =	stream.linear.gather [hbm4b:s25+s12], $0x1000, $0x38;
	[tilespmem:$0x18000] =	vst v63  }
0x24: {  	s26 =	sshll.u32 s23, $0x7;
	s3 =	sadd.s32 s2, s3  }
0x25: {  	[tilespmem:s15], [sflag:$0x1] =	stream.linear.gather [hbm4b:s3+s12], $0x1000, $0x38;
	[tilespmem:$0x18000] =	vst v63  }
0x26: {  	s28 =	simm.s32 $0x13000;
	s22 =	sshll.u32 s23, $0xA;
	s24 =	sadd.s32 s4, s26  }
0x27: {  	[tilespmem:s28], [sflag:$0x1] =	stream.linear.gather [hbm4b:s24+s12], $0x400, $0x38;
	[tilespmem:$0x18000] =	vst v63  }
0x28: {  	s25 =	sshrl.u32 s22, $0x3;
	s3 =	sadd.s32 s5, s26;
	s24 =	simm.s32 $0x17400  }
0x29: {  	[tilespmem:s24], [sflag:$0x1] =	stream.linear.gather [hbm4b:s3+s12], $0x400, $0x38;
	[tilespmem:$0x18000] =	vst v63  }
0x2a: {  	s3 =	sadd.s32 s5, s25  }
0x2b: {  	s25 =	simm.s32 $0x17800;
	s26 =	sadd.s32 $0x1E850, s3  }
0x2c: {  	[tilespmem:s25], [sflag:$0x1] =	stream.linear.gather [hbm4b:s26+s12], $0x400, $0x38;
	[tilespmem:$0x18000] =	vst v63  }
0x2d: {  	s3 =	sadd.s32 $0x3D0A0, s3;
	s26 =	simm.s32 $0x17C00  }
0x2e: {  	[tilespmem:s26], [sflag:$0x1] =	stream.linear.gather [hbm4b:s3+s12], $0x400, $0x38;
	[tilespmem:$0x18000] =	vst v63  }
0x2f: {  	_ =	swait.ge [sflag:s16], $0x1000  }
0x30: {  	[sflag:s16] =	ssyncset.done $0x0  }
0x31: {  	[sflag:s16] =	ssyncadd.s32 $0xFFFFF000  }
0x32: {  	_ =	swait.ge [sflag:s16], $0x1000  }
0x33: {  	[sflag:s16] =	ssyncset.done $0x0  }
0x34: {  	[sflag:s16] =	ssyncadd.s32 $0xFFFFF000  }
0x35: {  	_ =	swait.ge [sflag:s16], $0x1000  }
0x36: {  	[sflag:s16] =	ssyncset.done $0x0  }
0x37: {  	[sflag:s16] =	ssyncadd.s32 $0xFFFFF000  }
0x38: {  	_ =	swait.ge [sflag:s16], $0x400  }
0x39: {  	[sflag:s16] =	ssyncset.done $0x0  }
0x3a: {  	[sflag:s16] =	ssyncadd.s32 $0xFFFFFC00  }
0x3b: {  	_ =	swait.ge [sflag:s16], $0x400  }
0x3c: {  	[sflag:s16] =	ssyncset.done $0x0  }
0x3d: {  	[sflag:s16] =	ssyncadd.s32 $0xFFFFFC00  }
0x3e: {  	_ =	swait.ge [sflag:s16], $0x400  }
0x3f: {  	[sflag:s16] =	ssyncset.done $0x0  }
0x40: {  	[sflag:s16] =	ssyncadd.s32 $0xFFFFFC00  }
0x41: {  	s3 =	simm.s32 $0x0;
	_ =	swait.ge [sflag:s16], $0x400  }
0x42: {  	s9 =	sand.u32 $0x70, s12;
	s3 =	sand.u32 $0xFFFFFE00, s3;
	[sflag:s16] =	ssyncset.done $0x0  }
0x43: {  	s12 =	sor.u32 s9, s3;
	[sflag:s16] =	ssyncadd.s32 $0xFFFFFC00  }
0x44: {  	v0 =	vld [tilespmem:s12+$0x10000];
	_ =	sdelay $0x1  }
0x45: {  	s3 =	simm.s32 $0x0  }
0x46: {  	s3 =	sand.u32 $0x3FFFFC00, s3  }
0x47: {  	s3 =	sor.u32 s9, s3  }
0x48: {  	[tilespmem:s3+$0x0] =	vst v0  }
0x49: {  	v0 =	vld [tilespmem:s12+$0x10080];
	_ =	sdelay $0x4  }
0x4a: {  	[tilespmem:s3+$0x80] =	vst v0  }
0x4b: {  	v0 =	vld [tilespmem:s12+$0x10100];
	_ =	sdelay $0x4  }
0x4c: {  	[tilespmem:s3+$0x100] =	vst v0  }
0x4d: {  	v0 =	vld [tilespmem:s12+$0x11000];
	_ =	sdelay $0x4  }
0x4e: {  	v0 =	vmul.f32 $1.442695020e+00, v0;
	_ =	sdelay $0x1  }
0x4f: {  	(erf) = vpow2.f32 v0;
	_ =	sdelay $0x8  }
0x50: {  	v0 =	vpop (erf)  }
0x51: {  	[tilespmem:s3+$0x180] =	vst v0  }
0x52: {  	v0 =	vld [tilespmem:s12+$0x11080];
	_ =	sdelay $0x4  }
0x53: {  	v0 =	vmul.f32 $1.442695020e+00, v0;
	_ =	sdelay $0x1  }
0x54: {  	(erf) = vpow2.f32 v0;
	_ =	sdelay $0x8  }
0x55: {  	v0 =	vpop (erf)  }
0x56: {  	[tilespmem:s3+$0x200] =	vst v0  }
0x57: {  	v0 =	vld [tilespmem:s12+$0x11100];
	_ =	sdelay $0x4  }
0x58: {  	v0 =	vmul.f32 $1.442695020e+00, v0;
	_ =	sdelay $0x1  }
0x59: {  	(erf) = vpow2.f32 v0;
	_ =	sdelay $0x8  }
0x5a: {  	v0 =	vpop (erf)  }
0x5b: {  	[tilespmem:s3+$0x280] =	vst v0  }
0x5c: {  	v0 =	vld [tilespmem:s12+$0x12000]  }
0x5d: {  	v1 =	vld [tilespmem:s12+$0x12080];
	_ =	sdelay $0x1  }
0x5e: {  	v2 =	vld [tilespmem:s12+$0x12100];
	_ =	sdelay $0x1  }
0x5f: {  	v3 =	vld [tilespmem:s12+$0x12180]  }
0x60: {  	v4 =	vmul.f32 v0, v0;
	v5 =	vmul.f32 v1, v1;
	_ =	sdelay $0x1  }
0x61: {  	v62 =	vmul.f32 v2, v2;
	v4 =	vadd.f32 v5, v4;
	_ =	sdelay $0x1  }
0x62: {  	v63 =	vmul.f32 v3, v3;
	v4 =	vadd.f32 v62, v4;
	_ =	sdelay $0x1  }
0x63: {  	v4 =	vadd.f32 v63, v4;
	_ =	sdelay $0x1  }
0x64: {  	v5 =	vshra.s32 v4, $0x1;
	v6 =	vmul.f32 $5.000000000e-01, v4  }
0x65: {  	v5 =	vsub.s32 $0x5F3759DF, v5  }
0x66: {  	v7 =	vmul.f32 v5, v6;
	_ =	sdelay $0x1  }
0x67: {  	v7 =	vmul.f32 v5, v7;
	_ =	sdelay $0x1  }
0x68: {  	v7 =	vsub.f32 $1.500000000e+00, v7;
	_ =	sdelay $0x1  }
0x69: {  	v5 =	vmul.f32 v5, v7;
	_ =	sdelay $0x1  }
0x6a: {  	v7 =	vmul.f32 v5, v6;
	_ =	sdelay $0x1  }
0x6b: {  	v7 =	vmul.f32 v7, v5;
	_ =	sdelay $0x1  }
0x6c: {  	v7 =	vsub.f32 $1.500000000e+00, v7;
	_ =	sdelay $0x1  }
0x6d: {  	v5 =	vmul.f32 v7, v5;
	_ =	sdelay $0x1  }
0x6e: {  	v6 =	vmul.f32 v5, v6;
	_ =	sdelay $0x1  }
0x6f: {  	v6 =	vmul.f32 v6, v5;
	_ =	sdelay $0x1  }
0x70: {  	v6 =	vsub.f32 $1.500000000e+00, v6;
	_ =	sdelay $0x1  }
0x71: {  	v5 =	vmul.f32 v6, v5  }
0x72: {  	vm0 =	vge.f32 v4, $1.000000020e-24  }
0x73: {  	v4 =	vnsel vm0, $0x5368D4A5, v5  }
0x74: {  	v0 =	vmul.f32 v4, v0  }
0x75: {  	v1 =	vmul.f32 v4, v1  }
0x76: {  	[tilespmem:s3+$0x300] =	vst v0;
	v0 =	vmul.f32 v4, v2  }
0x77: {  	[tilespmem:s3+$0x380] =	vst v1;
	v1 =	vmul.f32 v4, v3  }
0x78: {  	[tilespmem:s3+$0x2000] =	vst v0  }
0x79: {  	[tilespmem:s3+$0x2080] =	vst v1  }
0x7a: {  	v0 =	vld [tilespmem:s28+$0x0];
	_ =	sdelay $0x4  }
0x7b: {  	v0 =	vsub.f32 $0.0e+00, v0;
	_ =	sdelay $0x1  }
0x7c: {  	v0 =	vmul.f32 $1.442695020e+00, v0;
	_ =	sdelay $0x1  }
0x7d: {  	(erf) = vpow2.f32 v0;
	_ =	sdelay $0x8  }
0x7e: {  	v0 =	vpop (erf)  }
0x7f: {  	v0 =	vadd.f32 $1.000000000e+00, v0;
	_ =	sdelay $0x1  }
0x80: {  	(erf) = vrcp.f32 v0;
	_ =	sdelay $0x8  }
0x81: {  	v0 =	vpop (erf)  }
0x82: {  	[tilespmem:s3+$0x2100] =	vst v0  }
0x83: {  	v0 =	vld [tilespmem:s24+$0x0];
	_ =	sdelay $0x4  }
0x84: {  	[tilespmem:s3+$0x2180] =	vst v0  }
0x85: {  	v0 =	vld [tilespmem:s25+$0x0];
	_ =	sdelay $0x4  }
0x86: {  	[tilespmem:s3+$0x2200] =	vst v0  }
0x87: {  	v0 =	vld [tilespmem:s26+$0x0];
	_ =	sdelay $0x2  }
0x88: {  	s29 =	simm.s32 $0x10;
	s9 =	simm.s32 $0x40  }
0x89: {  	s9 =	sand.u32 $0xFFFFFE00, s9;
	s12 =	sand.u32 $0x70, s29  }
0x8a: {  	s9 =	sor.u32 s12, s9;
	[tilespmem:s3+$0x2280] =	vst v0  }
0x8b: {  	v0 =	vld [tilespmem:s9+$0x10000]  }
0x8c: {  	s30 =	simm.s32 $0x1;
	s31 =	simm.s32 $0x2  }
.LBB2_4:
0x8d: {  	p0 =	sne.s32 s31, $0x3F;
	s3 =	sshll.u32 s30, $0x7;
	s30 =	smov.u32 s31  }
0x8e: {  	s3 =	sand.u32 $0x3FFFFC00, s3  }
0x8f: {  	s3 =	sor.u32 s12, s3  }
0x90: {  	[tilespmem:s3+$0x0] =	vst v0  }
0x91: {  	v0 =	vld [tilespmem:s9+$0x10080];
	_ =	sdelay $0x4  }
0x92: {  	[tilespmem:s3+$0x80] =	vst v0  }
0x93: {  	v0 =	vld [tilespmem:s9+$0x10100];
	_ =	sdelay $0x4  }
0x94: {  	[tilespmem:s3+$0x100] =	vst v0  }
0x95: {  	v0 =	vld [tilespmem:s9+$0x11000];
	_ =	sdelay $0x4  }
0x96: {  	v0 =	vmul.f32 $1.442695020e+00, v0;
	_ =	sdelay $0x1  }
0x97: {  	(erf) = vpow2.f32 v0;
	_ =	sdelay $0x8  }
0x98: {  	v0 =	vpop (erf)  }
0x99: {  	[tilespmem:s3+$0x180] =	vst v0  }
0x9a: {  	v0 =	vld [tilespmem:s9+$0x11080];
	_ =	sdelay $0x4  }
0x9b: {  	v0 =	vmul.f32 $1.442695020e+00, v0;
	_ =	sdelay $0x1  }
0x9c: {  	(erf) = vpow2.f32 v0;
	_ =	sdelay $0x8  }
0x9d: {  	v0 =	vpop (erf)  }
0x9e: {  	[tilespmem:s3+$0x200] =	vst v0  }
0x9f: {  	v0 =	vld [tilespmem:s9+$0x11100];
	_ =	sdelay $0x4  }
0xa0: {  	v0 =	vmul.f32 $1.442695020e+00, v0;
	_ =	sdelay $0x1  }
0xa1: {  	(erf) = vpow2.f32 v0;
	_ =	sdelay $0x8  }
0xa2: {  	v0 =	vpop (erf)  }
0xa3: {  	[tilespmem:s3+$0x280] =	vst v0  }
0xa4: {  	v0 =	vld [tilespmem:s9+$0x12000]  }
0xa5: {  	v1 =	vld [tilespmem:s9+$0x12080];
	_ =	sdelay $0x1  }
0xa6: {  	v2 =	vld [tilespmem:s9+$0x12100];
	_ =	sdelay $0x1  }
0xa7: {  	v3 =	vld [tilespmem:s9+$0x12180]  }
0xa8: {  	v4 =	vmul.f32 v0, v0;
	v5 =	vmul.f32 v1, v1;
	_ =	sdelay $0x1  }
0xa9: {  	v4 =	vadd.f32 v5, v4;
	v5 =	vmul.f32 v2, v2;
	_ =	sdelay $0x1  }
0xaa: {  	v4 =	vadd.f32 v5, v4;
	v5 =	vmul.f32 v3, v3;
	_ =	sdelay $0x1  }
0xab: {  	v4 =	vadd.f32 v5, v4;
	_ =	sdelay $0x1  }
0xac: {  	v5 =	vshra.s32 v4, $0x1;
	v6 =	vmul.f32 $5.000000000e-01, v4  }
0xad: {  	v5 =	vsub.s32 $0x5F3759DF, v5  }
0xae: {  	v7 =	vmul.f32 v5, v6;
	_ =	sdelay $0x1  }
0xaf: {  	v7 =	vmul.f32 v5, v7;
	_ =	sdelay $0x1  }
0xb0: {  	v7 =	vsub.f32 $1.500000000e+00, v7;
	_ =	sdelay $0x1  }
0xb1: {  	v5 =	vmul.f32 v5, v7;
	_ =	sdelay $0x1  }
0xb2: {  	v7 =	vmul.f32 v5, v6;
	_ =	sdelay $0x1  }
0xb3: {  	v7 =	vmul.f32 v7, v5;
	_ =	sdelay $0x1  }
0xb4: {  	v7 =	vsub.f32 $1.500000000e+00, v7;
	_ =	sdelay $0x1  }
0xb5: {  	v5 =	vmul.f32 v7, v5;
	_ =	sdelay $0x1  }
0xb6: {  	v6 =	vmul.f32 v5, v6;
	_ =	sdelay $0x1  }
0xb7: {  	v6 =	vmul.f32 v6, v5;
	_ =	sdelay $0x1  }
0xb8: {  	v6 =	vsub.f32 $1.500000000e+00, v6;
	_ =	sdelay $0x1  }
0xb9: {  	v5 =	vmul.f32 v6, v5  }
0xba: {  	vm0 =	vge.f32 v4, $1.000000020e-24  }
0xbb: {  	v4 =	vnsel vm0, $0x5368D4A5, v5  }
0xbc: {  	v0 =	vmul.f32 v4, v0  }
0xbd: {  	v1 =	vmul.f32 v4, v1  }
0xbe: {  	[tilespmem:s3+$0x300] =	vst v0;
	v0 =	vmul.f32 v4, v2  }
0xbf: {  	[tilespmem:s3+$0x380] =	vst v1;
	v1 =	vmul.f32 v4, v3  }
0xc0: {  	[tilespmem:s3+$0x2000] =	vst v0  }
0xc1: {  	s28 =	sadd.s32 $0x10, s28;
	[tilespmem:s3+$0x2080] =	vst v1  }
0xc2: {  	v0 =	vld [tilespmem:s28+$0x0];
	_ =	sdelay $0x4  }
0xc3: {  	v0 =	vsub.f32 $0.0e+00, v0;
	_ =	sdelay $0x1  }
0xc4: {  	v0 =	vmul.f32 $1.442695020e+00, v0;
	_ =	sdelay $0x1  }
0xc5: {  	(erf) = vpow2.f32 v0;
	_ =	sdelay $0x8  }
0xc6: {  	v0 =	vpop (erf)  }
0xc7: {  	v0 =	vadd.f32 $1.000000000e+00, v0;
	_ =	sdelay $0x1  }
0xc8: {  	(erf) = vrcp.f32 v0;
	_ =	sdelay $0x8  }
0xc9: {  	v0 =	vpop (erf)  }
0xca: {  	s24 =	sadd.s32 $0x10, s24;
	[tilespmem:s3+$0x2100] =	vst v0  }
0xcb: {  	v0 =	vld [tilespmem:s24+$0x0];
	_ =	sdelay $0x4  }
0xcc: {  	s25 =	sadd.s32 $0x10, s25;
	[tilespmem:s3+$0x2180] =	vst v0  }
0xcd: {  	v0 =	vld [tilespmem:s25+$0x0];
	_ =	sdelay $0x4  }
0xce: {  	s26 =	sadd.s32 $0x10, s26;
	[tilespmem:s3+$0x2200] =	vst v0  }
0xcf: {  	v0 =	vld [tilespmem:s26+$0x0];
	_ =	sdelay $0x2  }
.Ltmp5:
0xd0: {  	s29 =	sadd.s32 $0x10, s29;
	s9 =	sshll.u32 s31, $0x6;
	(pc) =	sbr.rel @p0 .LBB2_4-.Ltmp5, $4  }
0xd1: {  	s12 =	sand.u32 $0x70, s29;
	s9 =	sand.u32 $0xFFFFFE00, s9  }
0xd2: {  	s9 =	sor.u32 s12, s9;
	[tilespmem:s3+$0x2280] =	vst v0  }
0xd3: {  	v0 =	vld [tilespmem:s9+$0x10000]  }
0xd4: {  	s31 =	sadd.s32 $0x1, s31  }
0xd5: {  	s3 =	sshll.u32 s30, $0x7  }
0xd6: {  	s3 =	sand.u32 $0x3FFFFC00, s3  }
0xd7: {  	s3 =	sor.u32 s12, s3  }
0xd8: {  	[tilespmem:s3+$0x0] =	vst v0  }
0xd9: {  	v0 =	vld [tilespmem:s9+$0x10080];
	_ =	sdelay $0x4  }
0xda: {  	[tilespmem:s3+$0x80] =	vst v0  }
0xdb: {  	v0 =	vld [tilespmem:s9+$0x10100];
	_ =	sdelay $0x4  }
0xdc: {  	[tilespmem:s3+$0x100] =	vst v0  }
0xdd: {  	v0 =	vld [tilespmem:s9+$0x11000];
	_ =	sdelay $0x4  }
0xde: {  	v0 =	vmul.f32 $1.442695020e+00, v0;
	_ =	sdelay $0x1  }
0xdf: {  	(erf) = vpow2.f32 v0;
	_ =	sdelay $0x8  }
0xe0: {  	v0 =	vpop (erf)  }
0xe1: {  	[tilespmem:s3+$0x180] =	vst v0  }
0xe2: {  	v0 =	vld [tilespmem:s9+$0x11080];
	_ =	sdelay $0x4  }
0xe3: {  	v0 =	vmul.f32 $1.442695020e+00, v0;
	_ =	sdelay $0x1  }
0xe4: {  	(erf) = vpow2.f32 v0;
	_ =	sdelay $0x8  }
0xe5: {  	v0 =	vpop (erf)  }
0xe6: {  	[tilespmem:s3+$0x200] =	vst v0  }
0xe7: {  	v0 =	vld [tilespmem:s9+$0x11100];
	_ =	sdelay $0x4  }
0xe8: {  	v0 =	vmul.f32 $1.442695020e+00, v0;
	_ =	sdelay $0x1  }
0xe9: {  	(erf) = vpow2.f32 v0;
	_ =	sdelay $0x8  }
0xea: {  	v0 =	vpop (erf)  }
0xeb: {  	[tilespmem:s3+$0x280] =	vst v0  }
0xec: {  	v0 =	vld [tilespmem:s9+$0x12000]  }
0xed: {  	v1 =	vld [tilespmem:s9+$0x12080];
	_ =	sdelay $0x1  }
0xee: {  	v2 =	vld [tilespmem:s9+$0x12100];
	_ =	sdelay $0x1  }
0xef: {  	v3 =	vld [tilespmem:s9+$0x12180]  }
0xf0: {  	v4 =	vmul.f32 v0, v0;
	v5 =	vmul.f32 v1, v1;
	_ =	sdelay $0x1  }
0xf1: {  	v4 =	vadd.f32 v5, v4;
	v5 =	vmul.f32 v2, v2;
	_ =	sdelay $0x1  }
0xf2: {  	v4 =	vadd.f32 v5, v4;
	v5 =	vmul.f32 v3, v3;
	_ =	sdelay $0x1  }
0xf3: {  	v4 =	vadd.f32 v5, v4;
	_ =	sdelay $0x1  }
0xf4: {  	v5 =	vshra.s32 v4, $0x1;
	v6 =	vmul.f32 $5.000000000e-01, v4  }
0xf5: {  	v5 =	vsub.s32 $0x5F3759DF, v5  }
0xf6: {  	v7 =	vmul.f32 v5, v6;
	_ =	sdelay $0x1  }
0xf7: {  	v7 =	vmul.f32 v5, v7;
	_ =	sdelay $0x1  }
0xf8: {  	v7 =	vsub.f32 $1.500000000e+00, v7;
	_ =	sdelay $0x1  }
0xf9: {  	v5 =	vmul.f32 v5, v7;
	_ =	sdelay $0x1  }
0xfa: {  	v7 =	vmul.f32 v5, v6;
	_ =	sdelay $0x1  }
0xfb: {  	v7 =	vmul.f32 v7, v5;
	_ =	sdelay $0x1  }
0xfc: {  	v7 =	vsub.f32 $1.500000000e+00, v7;
	_ =	sdelay $0x1  }
0xfd: {  	v5 =	vmul.f32 v7, v5;
	_ =	sdelay $0x1  }
0xfe: {  	v6 =	vmul.f32 v5, v6;
	_ =	sdelay $0x1  }
0xff: {  	v6 =	vmul.f32 v6, v5;
	_ =	sdelay $0x1  }
0x100: {  	v6 =	vsub.f32 $1.500000000e+00, v6;
	_ =	sdelay $0x1  }
0x101: {  	v5 =	vmul.f32 v6, v5  }
0x102: {  	vm0 =	vge.f32 v4, $1.000000020e-24  }
0x103: {  	v4 =	vnsel vm0, $0x5368D4A5, v5  }
0x104: {  	v0 =	vmul.f32 v4, v0  }
0x105: {  	v1 =	vmul.f32 v4, v1  }
0x106: {  	[tilespmem:s3+$0x300] =	vst v0;
	v0 =	vmul.f32 v4, v2  }
0x107: {  	[tilespmem:s3+$0x380] =	vst v1;
	v1 =	vmul.f32 v4, v3  }
0x108: {  	[tilespmem:s3+$0x2000] =	vst v0  }
0x109: {  	s12 =	sadd.s32 $0x10, s28;
	[tilespmem:s3+$0x2080] =	vst v1  }
0x10a: {  	v0 =	vld [tilespmem:s12+$0x0];
	_ =	sdelay $0x4  }
0x10b: {  	v0 =	vsub.f32 $0.0e+00, v0;
	_ =	sdelay $0x1  }
0x10c: {  	v0 =	vmul.f32 $1.442695020e+00, v0;
	_ =	sdelay $0x1  }
0x10d: {  	(erf) = vpow2.f32 v0;
	_ =	sdelay $0x8  }
0x10e: {  	v0 =	vpop (erf)  }
0x10f: {  	v0 =	vadd.f32 $1.000000000e+00, v0;
	_ =	sdelay $0x1  }
0x110: {  	(erf) = vrcp.f32 v0;
	_ =	sdelay $0x8  }
0x111: {  	v0 =	vpop (erf)  }
0x112: {  	s24 =	sadd.s32 $0x10, s24;
	[tilespmem:s3+$0x2100] =	vst v0  }
0x113: {  	v0 =	vld [tilespmem:s24+$0x0];
	_ =	sdelay $0x4  }
0x114: {  	s25 =	sadd.s32 $0x10, s25;
	[tilespmem:s3+$0x2180] =	vst v0  }
0x115: {  	v0 =	vld [tilespmem:s25+$0x0];
	_ =	sdelay $0x4  }
0x116: {  	s26 =	sadd.s32 $0x10, s26;
	[tilespmem:s3+$0x2200] =	vst v0  }
0x117: {  	v0 =	vld [tilespmem:s26+$0x0];
	_ =	sdelay $0x4  }
0x118: {  	s28 =	sadd.s32 s6, s22;
	[tilespmem:s3+$0x2280] =	vst v0  }
0x119: {  	[tilespmem:s19], [sflag:$0x1] =	stream.strided.gather [hbm4b:s28+s17], $0x4000, s18, s17, $0x38;
	[tilespmem:$0x18000] =	vst v63  }
0x11a: {  	s29 =	simm.s32 $0x0;
	_ =	swait.ge [sflag:s16], $0x4000  }
0x11b: {  	s30 =	sand.u32 $0x70, s29;
	s31 =	sand.u32 $0x1C00, s29;
	[sflag:s16] =	ssyncset.done $0x0  }
0x11c: {  	s9 =	sor.u32 s30, s31;
	[sflag:s16] =	ssyncadd.s32 $0xFFFFC000  }
0x11d: {  	v0 =	vld [tilespmem:s9+$0x13400];
	_ =	sdelay $0x4  }
0x11e: {  	s12 =	sadd.s32 $0x13400, s9;
	[tilespmem:s9+$0x2300] =	vst v0  }
0x11f: {  	v0 =	vld [tilespmem:s12+$0x80];
	_ =	sdelay $0x4  }
0x120: {  	[tilespmem:s9+$0x4080] =	vst v0  }
0x121: {  	v0 =	vld [tilespmem:s12+$0x100];
	_ =	sdelay $0x4  }
0x122: {  	[tilespmem:s9+$0x4200] =	vst v0  }
0x123: {  	v0 =	vld [tilespmem:s12+$0x180];
	_ =	sdelay $0x4  }
0x124: {  	[tilespmem:s9+$0x4380] =	vst v0  }
0x125: {  	v0 =	vld [tilespmem:s12+$0x200];
	_ =	sdelay $0x4  }
0x126: {  	[tilespmem:s9+$0x6100] =	vst v0  }
0x127: {  	v0 =	vld [tilespmem:s12+$0x280];
	_ =	sdelay $0x4  }
0x128: {  	[tilespmem:s9+$0x6280] =	vst v0  }
0x129: {  	v2 =	vld [tilespmem:s12+$0x300]  }
0x12a: {  	v5 =	vld [tilespmem:s9+$0x15400]  }
0x12b: {  	v3 =	vld [tilespmem:s9+$0x15480]  }
0x12c: {  	v1 =	vld [tilespmem:s9+$0x15500]  }
0x12d: {  	s3 =	sor.u32 s29, s29;
	v0 =	vld [tilespmem:s9+$0x15580]  }
0x12e: {  	s3 =	sor.u32 $0x380, s3;
	v4 =	vld [tilespmem:s9+$0x15600];
	[tilespmem:s9+$0x8000] =	vst v2  }
0x12f: {  	s24 =	simm.s32 $0x10;
	v2 =	vld [tilespmem:s3+$0x13400];
	[tilespmem:s9+$0x8300] =	vst v5;
	s3 =	simm.s32 $0x80  }
.LBB2_6:
0x130: {  	s12 =	sand.u32 $0x70, s24;
	s25 =	sand.u32 $0x1C00, s3;
	p0 =	sne.s32 s24, $0x3F0;
	[tilespmem:s9+$0xA080] =	vst v3;
	v3 =	vld [tilespmem:s9+$0x15680]  }
0x131: {  	s12 =	sor.u32 s12, s25;
	[tilespmem:s9+$0xA200] =	vst v1;
	v1 =	vld [tilespmem:s9+$0x15700]  }
0x132: {  	v5 =	vld [tilespmem:s12+$0x13400];
	[tilespmem:s9+$0xA380] =	vst v0  }
0x133: {  	[tilespmem:s9+$0xC100] =	vst v4  }
0x134: {  	[tilespmem:s9+$0x8180] =	vst v2  }
0x135: {  	[tilespmem:s9+$0xC280] =	vst v3  }
0x136: {  	[tilespmem:s9+$0xE000] =	vst v1;
	s9 =	smov.u32 s12  }
0x137: {  	s12 =	sadd.s32 $0x13400, s9;
	[tilespmem:s9+$0x2300] =	vst v5  }
0x138: {  	v0 =	vld [tilespmem:s12+$0x80];
	_ =	sdelay $0x4  }
0x139: {  	[tilespmem:s9+$0x4080] =	vst v0  }
0x13a: {  	v0 =	vld [tilespmem:s12+$0x100];
	_ =	sdelay $0x4  }
0x13b: {  	[tilespmem:s9+$0x4200] =	vst v0  }
0x13c: {  	v0 =	vld [tilespmem:s12+$0x180];
	_ =	sdelay $0x4  }
0x13d: {  	[tilespmem:s9+$0x4380] =	vst v0  }
0x13e: {  	v0 =	vld [tilespmem:s12+$0x200];
	_ =	sdelay $0x4  }
0x13f: {  	[tilespmem:s9+$0x6100] =	vst v0  }
0x140: {  	v0 =	vld [tilespmem:s12+$0x280];
	_ =	sdelay $0x4  }
0x141: {  	[tilespmem:s9+$0x6280] =	vst v0  }
0x142: {  	v2 =	vld [tilespmem:s12+$0x300]  }
0x143: {  	v5 =	vld [tilespmem:s9+$0x15400]  }
.Ltmp6:
0x144: {  	v3 =	vld [tilespmem:s9+$0x15480];
	(pc) =	sbr.rel @p0 .LBB2_6-.Ltmp6, $4  }
0x145: {  	v1 =	vld [tilespmem:s9+$0x15500]  }
0x146: {  	s12 =	sor.u32 s3, s24;
	v0 =	vld [tilespmem:s9+$0x15580]  }
0x147: {  	s12 =	sor.u32 $0x380, s12;
	[tilespmem:s9+$0x8000] =	vst v2;
	v4 =	vld [tilespmem:s9+$0x15600]  }
0x148: {  	s3 =	sadd.s32 $0x80, s3;
	s24 =	sadd.s32 $0x10, s24;
	v2 =	vld [tilespmem:s12+$0x13400];
	[tilespmem:s9+$0x8300] =	vst v5  }
0x149: {  	[tilespmem:s9+$0xA080] =	vst v3;
	v3 =	vld [tilespmem:s9+$0x15680]  }
0x14a: {  	[tilespmem:s9+$0xA200] =	vst v1;
	v1 =	vld [tilespmem:s9+$0x15700]  }
0x14b: {  	[tilespmem:s9+$0xA380] =	vst v0  }
0x14c: {  	s3 =	sshll.u32 s23, $0xD;
	[tilespmem:s9+$0xC100] =	vst v4  }
0x14d: {  	s3 =	sshrl.u32 s3, $0x3;
	[tilespmem:s9+$0x8180] =	vst v2  }
0x14e: {  	s3 =	sadd.s32 s6, s3;
	[tilespmem:s9+$0xC280] =	vst v3  }
0x14f: {  	s29 =	sadd.s32 $0x1E8500, s3;
	[tilespmem:s9+$0xE000] =	vst v1  }
0x150: {  	[tilespmem:s19], [sflag:$0x1] =	stream.strided.gather [hbm4b:s29+s17], $0x4000, s18, s17, $0x38;
	[tilespmem:$0x18000] =	vst v63  }
0x151: {  	s12 =	simm.s32 $0x0;
	_ =	swait.ge [sflag:s16], $0x4000  }
0x152: {  	s30 =	sand.u32 $0x70, s12;
	s31 =	sand.u32 $0x1C00, s12;
	[sflag:s16] =	ssyncset.done $0x0  }
0x153: {  	s9 =	sor.u32 s30, s31;
	[sflag:s16] =	ssyncadd.s32 $0xFFFFC000  }
0x154: {  	v0 =	vld [tilespmem:s9+$0x13400];
	_ =	sdelay $0x4  }
0x155: {  	s23 =	sadd.s32 $0x13400, s9;
	[tilespmem:s9+$0x2380] =	vst v0  }
0x156: {  	v0 =	vld [tilespmem:s23+$0x80];
	_ =	sdelay $0x4  }
0x157: {  	[tilespmem:s9+$0x4100] =	vst v0  }
0x158: {  	v0 =	vld [tilespmem:s23+$0x100];
	_ =	sdelay $0x4  }
0x159: {  	[tilespmem:s9+$0x4280] =	vst v0  }
0x15a: {  	v0 =	vld [tilespmem:s23+$0x180];
	_ =	sdelay $0x4  }
0x15b: {  	[tilespmem:s9+$0x6000] =	vst v0  }
0x15c: {  	v0 =	vld [tilespmem:s23+$0x200];
	_ =	sdelay $0x4  }
0x15d: {  	[tilespmem:s9+$0x6180] =	vst v0  }
0x15e: {  	v0 =	vld [tilespmem:s23+$0x280];
	_ =	sdelay $0x4  }
0x15f: {  	[tilespmem:s9+$0x6300] =	vst v0  }
0x160: {  	v3 =	vld [tilespmem:s23+$0x300]  }
0x161: {  	v5 =	vld [tilespmem:s9+$0x15400]  }
0x162: {  	v2 =	vld [tilespmem:s9+$0x15480]  }
0x163: {  	v1 =	vld [tilespmem:s9+$0x15500]  }
0x164: {  	s12 =	sor.u32 s12, s12;
	v0 =	vld [tilespmem:s9+$0x15580]  }
0x165: {  	s12 =	sor.u32 $0x380, s12;
	[tilespmem:s9+$0x8080] =	vst v3;
	v3 =	vld [tilespmem:s9+$0x15600]  }
0x166: {  	s24 =	simm.s32 $0x10;
	s23 =	simm.s32 $0x80;
	v4 =	vld [tilespmem:s12+$0x13400];
	[tilespmem:s9+$0x8380] =	vst v5  }
.LBB2_8:
0x167: {  	s12 =	sand.u32 $0x70, s24;
	s25 =	sand.u32 $0x1C00, s23;
	p0 =	sne.s32 s24, $0x3F0;
	[tilespmem:s9+$0xA100] =	vst v2;
	v2 =	vld [tilespmem:s9+$0x15680]  }
0x168: {  	s12 =	sor.u32 s12, s25;
	[tilespmem:s9+$0xA280] =	vst v1;
	v1 =	vld [tilespmem:s9+$0x15700]  }
0x169: {  	v5 =	vld [tilespmem:s12+$0x13400];
	[tilespmem:s9+$0xC000] =	vst v0  }
0x16a: {  	[tilespmem:s9+$0xC180] =	vst v3  }
0x16b: {  	[tilespmem:s9+$0x8200] =	vst v4  }
0x16c: {  	[tilespmem:s9+$0xC300] =	vst v2  }
0x16d: {  	[tilespmem:s9+$0xE080] =	vst v1;
	s9 =	smov.u32 s12  }
0x16e: {  	s12 =	sadd.s32 $0x13400, s9;
	[tilespmem:s9+$0x2380] =	vst v5  }
0x16f: {  	v0 =	vld [tilespmem:s12+$0x80];
	_ =	sdelay $0x4  }
0x170: {  	[tilespmem:s9+$0x4100] =	vst v0  }
0x171: {  	v0 =	vld [tilespmem:s12+$0x100];
	_ =	sdelay $0x4  }
0x172: {  	[tilespmem:s9+$0x4280] =	vst v0  }
0x173: {  	v0 =	vld [tilespmem:s12+$0x180];
	_ =	sdelay $0x4  }
0x174: {  	[tilespmem:s9+$0x6000] =	vst v0  }
0x175: {  	v0 =	vld [tilespmem:s12+$0x200];
	_ =	sdelay $0x4  }
0x176: {  	[tilespmem:s9+$0x6180] =	vst v0  }
0x177: {  	v0 =	vld [tilespmem:s12+$0x280];
	_ =	sdelay $0x4  }
0x178: {  	[tilespmem:s9+$0x6300] =	vst v0  }
0x179: {  	v3 =	vld [tilespmem:s12+$0x300]  }
0x17a: {  	v5 =	vld [tilespmem:s9+$0x15400]  }
.Ltmp7:
0x17b: {  	v2 =	vld [tilespmem:s9+$0x15480];
	(pc) =	sbr.rel @p0 .LBB2_8-.Ltmp7, $4  }
0x17c: {  	v1 =	vld [tilespmem:s9+$0x15500]  }
0x17d: {  	s12 =	sor.u32 s23, s24;
	v0 =	vld [tilespmem:s9+$0x15580]  }
0x17e: {  	s12 =	sor.u32 $0x380, s12;
	[tilespmem:s9+$0x8080] =	vst v3;
	v3 =	vld [tilespmem:s9+$0x15600]  }
0x17f: {  	s23 =	sadd.s32 $0x80, s23;
	s24 =	sadd.s32 $0x10, s24;
	v4 =	vld [tilespmem:s12+$0x13400];
	[tilespmem:s9+$0x8380] =	vst v5  }
0x180: {  	[tilespmem:s9+$0xA100] =	vst v2;
	v2 =	vld [tilespmem:s9+$0x15680]  }
0x181: {  	[tilespmem:s9+$0xA280] =	vst v1;
	v1 =	vld [tilespmem:s9+$0x15700]  }
0x182: {  	[tilespmem:s9+$0xC000] =	vst v0  }
0x183: {  	[tilespmem:s9+$0xC180] =	vst v3  }
0x184: {  	[tilespmem:s9+$0x8200] =	vst v4  }
0x185: {  	[tilespmem:s9+$0xC300] =	vst v2  }
0x186: {  	s3 =	sadd.s32 $0x3D0A00, s3;
	[tilespmem:s9+$0xE080] =	vst v1  }
0x187: {  	[tilespmem:s19], [sflag:$0x1] =	stream.strided.gather [hbm4b:s3+s17], $0x4000, s18, s17, $0x38;
	[tilespmem:$0x18000] =	vst v63  }
0x188: {  	s30 =	simm.s32 $0x0;
	_ =	swait.ge [sflag:s16], $0x4000  }
0x189: {  	s31 =	sand.u32 $0x70, s30;
	s12 =	sand.u32 $0x1C00, s30;
	[sflag:s16] =	ssyncset.done $0x0  }
0x18a: {  	s3 =	sor.u32 s31, s12;
	[sflag:s16] =	ssyncadd.s32 $0xFFFFC000  }
0x18b: {  	v0 =	vld [tilespmem:s3+$0x13400];
	_ =	sdelay $0x4  }
0x18c: {  	s12 =	sadd.s32 $0x13400, s3;
	[tilespmem:s3+$0x4000] =	vst v0  }
0x18d: {  	v0 =	vld [tilespmem:s12+$0x80];
	_ =	sdelay $0x4  }
0x18e: {  	[tilespmem:s3+$0x4180] =	vst v0  }
0x18f: {  	v0 =	vld [tilespmem:s12+$0x100];
	_ =	sdelay $0x4  }
0x190: {  	[tilespmem:s3+$0x4300] =	vst v0  }
0x191: {  	v0 =	vld [tilespmem:s12+$0x180];
	_ =	sdelay $0x4  }
0x192: {  	[tilespmem:s3+$0x6080] =	vst v0  }
0x193: {  	v0 =	vld [tilespmem:s12+$0x200];
	_ =	sdelay $0x4  }
0x194: {  	[tilespmem:s3+$0x6200] =	vst v0  }
0x195: {  	v0 =	vld [tilespmem:s12+$0x280];
	_ =	sdelay $0x4  }
0x196: {  	[tilespmem:s3+$0x6380] =	vst v0  }
0x197: {  	v3 =	vld [tilespmem:s12+$0x300]  }
0x198: {  	v5 =	vld [tilespmem:s3+$0x15400]  }
0x199: {  	v2 =	vld [tilespmem:s3+$0x15480]  }
0x19a: {  	v1 =	vld [tilespmem:s3+$0x15500]  }
0x19b: {  	s9 =	sor.u32 s30, s30;
	v0 =	vld [tilespmem:s3+$0x15580]  }
0x19c: {  	s9 =	sor.u32 $0x380, s9;
	[tilespmem:s3+$0x8100] =	vst v3;
	v3 =	vld [tilespmem:s3+$0x15600]  }
0x19d: {  	s23 =	simm.s32 $0x10;
	v4 =	vld [tilespmem:s9+$0x13400];
	[tilespmem:s3+$0xA000] =	vst v5;
	s9 =	simm.s32 $0x80  }
.LBB2_10:
0x19e: {  	s12 =	sand.u32 $0x70, s23;
	s24 =	sand.u32 $0x1C00, s9;
	p0 =	sne.s32 s23, $0x3F0;
	[tilespmem:s3+$0xA180] =	vst v2;
	v2 =	vld [tilespmem:s3+$0x15680]  }
0x19f: {  	s12 =	sor.u32 s12, s24;
	[tilespmem:s3+$0xA300] =	vst v1;
	v1 =	vld [tilespmem:s3+$0x15700]  }
0x1a0: {  	v5 =	vld [tilespmem:s12+$0x13400];
	[tilespmem:s3+$0xC080] =	vst v0  }
0x1a1: {  	[tilespmem:s3+$0xC200] =	vst v3  }
0x1a2: {  	[tilespmem:s3+$0x8280] =	vst v4  }
0x1a3: {  	[tilespmem:s3+$0xC380] =	vst v2  }
0x1a4: {  	[tilespmem:s3+$0xE100] =	vst v1;
	s3 =	smov.u32 s12  }
0x1a5: {  	s12 =	sadd.s32 $0x13400, s3;
	[tilespmem:s3+$0x4000] =	vst v5  }
0x1a6: {  	v0 =	vld [tilespmem:s12+$0x80];
	_ =	sdelay $0x4  }
0x1a7: {  	[tilespmem:s3+$0x4180] =	vst v0  }
0x1a8: {  	v0 =	vld [tilespmem:s12+$0x100];
	_ =	sdelay $0x4  }
0x1a9: {  	[tilespmem:s3+$0x4300] =	vst v0  }
0x1aa: {  	v0 =	vld [tilespmem:s12+$0x180];
	_ =	sdelay $0x4  }
0x1ab: {  	[tilespmem:s3+$0x6080] =	vst v0  }
0x1ac: {  	v0 =	vld [tilespmem:s12+$0x200];
	_ =	sdelay $0x4  }
0x1ad: {  	[tilespmem:s3+$0x6200] =	vst v0  }
0x1ae: {  	v0 =	vld [tilespmem:s12+$0x280];
	_ =	sdelay $0x4  }
0x1af: {  	[tilespmem:s3+$0x6380] =	vst v0  }
0x1b0: {  	v3 =	vld [tilespmem:s12+$0x300]  }
0x1b1: {  	v5 =	vld [tilespmem:s3+$0x15400]  }
.Ltmp8:
0x1b2: {  	v2 =	vld [tilespmem:s3+$0x15480];
	(pc) =	sbr.rel @p0 .LBB2_10-.Ltmp8, $4  }
0x1b3: {  	v1 =	vld [tilespmem:s3+$0x15500]  }
0x1b4: {  	s12 =	sor.u32 s9, s23;
	v0 =	vld [tilespmem:s3+$0x15580]  }
0x1b5: {  	s12 =	sor.u32 $0x380, s12;
	[tilespmem:s3+$0x8100] =	vst v3;
	v3 =	vld [tilespmem:s3+$0x15600]  }
0x1b6: {  	s9 =	sadd.s32 $0x80, s9;
	s23 =	sadd.s32 $0x10, s23;
	v4 =	vld [tilespmem:s12+$0x13400];
	[tilespmem:s3+$0xA000] =	vst v5  }
0x1b7: {  	[tilespmem:s3+$0xA180] =	vst v2;
	v62 =	vld [tilespmem:s3+$0x15680]  }
0x1b8: {  	v63 =	vld [tilespmem:s3+$0x15700];
	[tilespmem:s3+$0xA300] =	vst v1  }
0x1b9: {  	[tilespmem:s3+$0xC080] =	vst v0  }
0x1ba: {  	[tilespmem:s3+$0xC200] =	vst v3  }
0x1bb: {  	[tilespmem:s3+$0x8280] =	vst v4  }
0x1bc: {  	[tilespmem:s3+$0xC380] =	vst v62  }
.Ltmp9:
0x1bd: {  	s31 =	sadd.s32 s7, s22;
	[tilespmem:s3+$0xE100] =	vst v63;
	(pc) =	sbr.rel .LBB2_12-.Ltmp9, $4  }
0x1be: {  	[hbm4b:s31+s17] =	stream.strided.scatter [tilespmem:s10], [sflag:$0x1], $0x10000, s18, s17, $0x38;
	[tilespmem:$0x18000] =	vst v63  }
0x1bf: {  	_ =	swait.ge [sflag:s16], $0x10000  }
0x1c0: {  	[sflag:s16] =	ssyncset.done $0x0  }
0x1c1: {  	[sflag:s16] =	ssyncadd.s32 $0xFFFF0000  }
.LBB2_14:
0x1c2: {  	_ =	sfence.sel $0x180000  }
0x1c3: {  	[bflag:$0x0] =	sbarrier.arrive $0xFFFF  }
0x1c4: {  	_ =	strace $0x90000047  }
0x1c5: {  	s0 =	stileid.u32;
	[bflag:$0x2] =	sbarrier.arrive $0xFFFF  }
0x1c6: {  	p0 =	sne.s32 s0, $0x0;
	s0 =	rddreg [dreg:$0x7]  }
0x1c7: {  	s0 =	sadd.s32 @!p0 $0x100000, s0  }
0x1c8: {  	[sflag:s0] =	ssyncadd.tile.s32 @!p0 $0x1;
	_ =	shalt  }
.Lfunc_end2:
_tile_overlayer_lowered:
.L_overlay_start_2:
0x1c9: {  	(tag) =	ssettag $0x2  }
0x1ca: {  	s0 =	rddreg [dreg:$0x0];
	s2 =	stileid.u32  }
0x1cb: {  	s1 =	rddreg [dreg:$0x1];
	p0 =	sne.s32 s2, $0x0  }
0x1cc: {  	s3 =	rddreg [dreg:$0x2];
	[bflag:$0x3] =	sbarrier.arrive $0xFFFF;
	s2 =	simm.s32 @!p0 $0x1C02  }
0x1cd: {  	[timem:s3], [sflag:s2] =	dma.local @!p0 [hbm:s0], s1  }
0x1ce: {  	s0 =	simm.s32 @!p0 $0x2  }
0x1cf: {  	_ =	swait.ge @!p0 [sflag:s0], s1  }
0x1d0: {  	s1 =	ssub.s32 @!p0 $0x0, s1;
	[sflag:s0] =	ssyncset.done @!p0 $0x0  }
0x1d1: {  	[sflag:s0] =	ssyncadd.s32 @!p0 s1  }
0x1d2: {  	[bflag:$0x3] =	sbarrier.arrive $0xFFFF  }
0x1d3: {  	_ =	shalt  }

</sc_bundles>
